<compile_context>
chip_gen: v7x
topology: tpu7x:2x2x1
jax: 0.10.2.dev20260603
libtpu: 0.0.44.dev20260713+nightly
codegen_flags: <defaults>
</compile_context>

<pallas_src>
import functools
import jax
import jax.numpy as jnp
from jax import lax
from jax.experimental import pallas as pl
from jax.experimental.pallas import tpu as pltpu
from jax.experimental.pallas import tpu_sc as plsc

MAXZ_PAD = 256
N = 2_000_000
NSEG = 32768
NC, NS, L = 2, 16, 16
NW = NC * NS
CHUNK = 62496
B_SUB = 8928
N_SUB = CHUNK // B_SUB
NV = B_SUB // L
TAIL = N - NW * CHUNK
TAIL_OFF = NW * CHUNK

_mesh = plsc.VectorSubcoreMesh(core_axis_name="c", subcore_axis_name="s")


@functools.partial(
    pl.kernel,
    out_type=jax.ShapeDtypeStruct((NW, NSEG), jnp.float32),
    mesh=_mesh,
    scratch_types=[
        pltpu.VMEM((MAXZ_PAD,), jnp.float32),
        pltpu.VMEM((B_SUB,), jnp.int32),
        pltpu.VMEM((B_SUB,), jnp.int32),
        pltpu.VMEM((B_SUB,), jnp.int32),
        pltpu.VMEM((B_SUB,), jnp.int32),
        pltpu.VMEM((NSEG,), jnp.float32),
        pltpu.SemaphoreType.DMA,
        pltpu.SemaphoreType.DMA,
    ],
    compiler_params=pltpu.CompilerParams(needs_layout_passes=False),
)
def _sc_partials(table_hbm, z_hbm, b_hbm, part_hbm, table_v, z_v0, z_v1,
                 b_v0, b_v1, acc_v, sem0, sem1):
    wid = lax.axis_index("s") * NC + lax.axis_index("c")
    base = wid * CHUNK
    sems = [sem0, sem1]
    zbufs = [z_v0, z_v1]
    bbufs = [b_v0, b_v1]

    pltpu.sync_copy(table_hbm, table_v)

    zero16 = jnp.zeros((L,), jnp.float32)
    iota16 = lax.iota(jnp.int32, L)
    stride_main = iota16 * NV
    stride_tail = iota16 * (TAIL // L)

    def _start(s):
        buf = s % 2
        off = base + s * B_SUB
        hz = pltpu.async_copy(z_hbm.at[pl.ds(off, B_SUB)], zbufs[buf], sems[buf])
        hb = pltpu.async_copy(b_hbm.at[pl.ds(off, B_SUB)], bbufs[buf], sems[buf])
        return hz, hb

    pend = _start(0)

    def _zero(i, _):
        for u in range(8):
            acc_v[pl.ds((i * 8 + u) * L, L)] = zero16
        return 0

    lax.fori_loop(0, NSEG // L // 8, _zero, 0)

    UNROLL = 9

    for s in range(N_SUB):
        buf = s % 2
        pend[0].wait()
        pend[1].wait()
        if s + 1 < N_SUB:
            pend = _start(s + 1)

        def _vecs6(i, _, buf=buf):
            for u in range(UNROLL):
                idx = stride_main + (i * UNROLL + u)
                zv = plsc.load_gather(zbufs[buf], [idx])
                bv = plsc.load_gather(bbufs[buf], [idx])
                vals = plsc.load_gather(table_v, [zv])
                plsc.addupdate_scatter(acc_v, [bv], vals)
            return 0

        lax.fori_loop(0, NV // UNROLL, _vecs6, 0)

    @pl.when(wid == NW - 1)
    def _tail():
        pltpu.sync_copy(z_hbm.at[pl.ds(TAIL_OFF, TAIL)], z_v0.at[pl.ds(0, TAIL)])
        pltpu.sync_copy(b_hbm.at[pl.ds(TAIL_OFF, TAIL)], b_v0.at[pl.ds(0, TAIL)])

        def _vecs_tail(i, _):
            idx = stride_tail + i
            zv = plsc.load_gather(z_v0, [idx])
            bv = plsc.load_gather(b_v0, [idx])
            vals = plsc.load_gather(table_v, [zv])
            plsc.addupdate_scatter(acc_v, [bv], vals)
            return 0

        lax.fori_loop(0, TAIL // L, _vecs_tail, 0)

    pltpu.sync_copy(acc_v, part_hbm.at[wid])


def _combine_body(p_ref, o_ref):
    o_ref[...] = jnp.sum(p_ref[...], axis=0)


@jax.jit
def kernel(z, batch, atom_ref_weight):
    table = jnp.pad(atom_ref_weight.reshape(-1), (0, MAXZ_PAD - atom_ref_weight.shape[0]))
    part = _sc_partials(table, z, batch)
    out = pl.pallas_call(
        _combine_body,
        out_shape=jax.ShapeDtypeStruct((NSEG // 128, 128), jnp.float32),
    )(part.reshape(NW, NSEG // 128, 128))
    return out.reshape(NSEG, 1)

# --- scband reference (transcript-rebuilt; emitter-appended) ---
"""Pipeline reference for scband-atom-ref-59631325937732 (READ-ONLY COPY).

The authoritative reference and input builder live on the scoring server;
editing this copy changes nothing except your own understanding.
"""

import jax, jax.numpy as jnp
import numpy as np

MAX_Z = 200
N_ATOMS = 2000000
NUM_SEGMENTS = 32768

def setup_inputs(seed: int = 0) -> dict:
    key = jax.random.key(seed)
    k1, k2, k3 = jax.random.split(key, 3)
    z = jax.random.randint(k1, (N_ATOMS,), 0, MAX_Z, dtype=jnp.int64 if jax.config.jax_enable_x64 else jnp.int32)
    batch = jnp.sort(jax.random.randint(k2, (N_ATOMS,), 0, NUM_SEGMENTS, dtype=jnp.int64 if jax.config.jax_enable_x64 else jnp.int32))
    # atom_ref embedding table: nn.Embedding(max_z, 1). Original init is zeros;
    # use small random values so the output is nontrivial for testing.
    atom_ref_weight = jax.random.normal(k3, (MAX_Z, 1), dtype=jnp.float32) * 0.1
    return {"z": z, "batch": batch, "atom_ref_weight": atom_ref_weight}

def reference(z, batch, atom_ref_weight):
    # per_atom_ref = self.atom_ref(z)  -> embedding gather
    per_atom_ref = jnp.take(atom_ref_weight, z, axis=0)  # [N, 1]
    # scatter_add(per_atom_ref, batch, dim=0) -> segment sum over molecules
    out = jax.ops.segment_sum(per_atom_ref, batch, num_segments=NUM_SEGMENTS)  # [NUM_SEGMENTS, 1]
    return out

if __name__ == "__main__":
    import jax
    _d = setup_inputs()
    print(jax.jit(kernel)(*tuple(_d.values())))

</pallas_src>

<mosaic_0001>
#map = affine_map<(d0, d1) -> (0)>
#map1 = affine_map<(d0, d1) -> (0, 0)>
module attributes {stable_mosaic.version = 14 : i64} {
  func.func @_sc_partials(%arg0: i32, %arg1: i32, %arg2: memref<256xf32, #tpu.memory_space<hbm>>, %arg3: memref<2000000xi32, #tpu.memory_space<hbm>>, %arg4: memref<2000000xi32, #tpu.memory_space<hbm>>, %arg5: memref<32x32768xf32, #tpu.memory_space<hbm>>, %arg6: memref<256xf32, #tpu.memory_space<vmem>>, %arg7: memref<8928xi32, #tpu.memory_space<vmem>>, %arg8: memref<8928xi32, #tpu.memory_space<vmem>>, %arg9: memref<8928xi32, #tpu.memory_space<vmem>>, %arg10: memref<8928xi32, #tpu.memory_space<vmem>>, %arg11: memref<32768xf32, #tpu.memory_space<vmem>>, %arg12: memref<!tpu.dma_semaphore, #tpu.memory_space<semaphore_mem>>, %arg13: memref<!tpu.dma_semaphore, #tpu.memory_space<semaphore_mem>>) attributes {dimension_semantics = [#tpu.dimension_semantics<core_parallel>, #tpu.dimension_semantics<subcore_parallel>], iteration_bounds = array<i64: 2, 16>, scalar_prefetch = 0 : i64, scratch_operands = 8 : i64, tpu.core_type = #tpu.core_type<sc_vector_subcore>, window_params = [{transform_indices = #map}, {transform_indices = #map}, {transform_indices = #map}, {transform_indices = #map1}]} {
    %mul3A = arith.constant 2 : i32
    %mul3A_0 = arith.muli %arg1, %mul3A : i32
    %add3A = arith.addi %mul3A_0, %arg0 : i32
    %mul3A_1 = arith.constant 62496 : i32
    %mul3A_2 = arith.muli %add3A, %mul3A_1 : i32
    "tpu.region"() ({
      %run_scoped3A = tpu.sem_alloc : memref<!tpu.dma_semaphore, #tpu.memory_space<semaphore_mem>>
      tpu.enqueue_dma source(%arg2 : memref<256xf32, #tpu.memory_space<hbm>>) target(%arg6 : memref<256xf32, #tpu.memory_space<vmem>>) target_semaphore(%run_scoped3A : memref<!tpu.dma_semaphore, #tpu.memory_space<semaphore_mem>>)
      tpu.wait_dma2 semaphore(%run_scoped3A : memref<!tpu.dma_semaphore, #tpu.memory_space<semaphore_mem>>) src(%arg2 : memref<256xf32, #tpu.memory_space<hbm>>) dst(%arg6 : memref<256xf32, #tpu.memory_space<vmem>>)
      tpu.yield
    }) : () -> ()
    %broadcast_in_dim3A = arith.constant 0.000000e+00 : f32
    %broadcast_in_dim3A_3 = vector.broadcast %broadcast_in_dim3A : f32 to vector<16xf32>
    %iota3A = tpu.iota {dimensions = array<i32: 0>} : vector<16xi32>
    %mul3A_4 = arith.constant 558 : i32
    %mul3A_5 = vector.broadcast %mul3A_4 : i32 to vector<16xi32>
    %mul3A_6 = arith.muli %iota3A, %mul3A_5 : vector<16xi32>
    %mul3A_7 = arith.constant 8 : i32
    %mul3A_8 = vector.broadcast %mul3A_7 : i32 to vector<16xi32>
    %mul3A_9 = arith.muli %iota3A, %mul3A_8 : vector<16xi32>
    %add3A_10 = arith.constant 0 : i32
    %add3A_11 = arith.addi %mul3A_2, %add3A_10 : i32
    %dma_start3A = tpu.memref_slice %arg3[%add3A_11] : memref<2000000xi32, #tpu.memory_space<hbm>> -> memref<8928xi32, #tpu.memory_space<hbm>>
    %dma_start3A_12 = tpu.memref_slice %arg3[%add3A_11] : memref<2000000xi32, #tpu.memory_space<hbm>> -> memref<8928xi32, #tpu.memory_space<hbm>>
    tpu.enqueue_dma source(%dma_start3A_12 : memref<8928xi32, #tpu.memory_space<hbm>>) target(%arg7 : memref<8928xi32, #tpu.memory_space<vmem>>) target_semaphore(%arg12 : memref<!tpu.dma_semaphore, #tpu.memory_space<semaphore_mem>>)
    %dma_start3A_13 = tpu.memref_slice %arg4[%add3A_11] : memref<2000000xi32, #tpu.memory_space<hbm>> -> memref<8928xi32, #tpu.memory_space<hbm>>
    %dma_start3A_14 = tpu.memref_slice %arg4[%add3A_11] : memref<2000000xi32, #tpu.memory_space<hbm>> -> memref<8928xi32, #tpu.memory_space<hbm>>
    tpu.enqueue_dma source(%dma_start3A_14 : memref<8928xi32, #tpu.memory_space<hbm>>) target(%arg9 : memref<8928xi32, #tpu.memory_space<vmem>>) target_semaphore(%arg12 : memref<!tpu.dma_semaphore, #tpu.memory_space<semaphore_mem>>)
    %scan3A = arith.constant 0 : i32
    %scan3A_15 = arith.constant 0 : i32
    %scan3A_16 = arith.constant 256 : i32
    %scan3A_17 = arith.addi %scan3A_15, %scan3A_16 : i32
    %scan3A_18 = arith.constant 1 : i32
    %scan3A_19 = scf.for %scan3A_135 = %scan3A_15 to %scan3A_17 step %scan3A_18 iter_args(%scan3A_136 = %scan3A) -> (i32)  : i32 {
      %mul3A_137 = arith.constant 8 : i32
      %mul3A_138 = arith.muli %scan3A_135, %mul3A_137 : i32
      %add3A_139 = arith.constant 0 : i32
      %add3A_140 = arith.addi %mul3A_138, %add3A_139 : i32
      %mul3A_141 = arith.constant 16 : i32
      %mul3A_142 = arith.muli %add3A_140, %mul3A_141 : i32
      %swap3A = arith.index_cast %mul3A_142 : i32 to index
      %swap3A_143 = tpu.vector_load %arg11[%swap3A] {strides = array<i32>} : memref<32768xf32, #tpu.memory_space<vmem>>, vector<16xf32>,
      tpu.vector_store %arg11[%swap3A], %broadcast_in_dim3A_3 {strides = array<i32>} : memref<32768xf32, #tpu.memory_space<vmem>>, vector<16xf32>,
      %mul3A_144 = arith.constant 8 : i32
      %mul3A_145 = arith.muli %scan3A_135, %mul3A_144 : i32
      %add3A_146 = arith.constant 1 : i32
      %add3A_147 = arith.addi %mul3A_145, %add3A_146 : i32
      %mul3A_148 = arith.constant 16 : i32
      %mul3A_149 = arith.muli %add3A_147, %mul3A_148 : i32
      %swap3A_150 = arith.index_cast %mul3A_149 : i32 to index
      %swap3A_151 = tpu.vector_load %arg11[%swap3A_150] {strides = array<i32>} : memref<32768xf32, #tpu.memory_space<vmem>>, vector<16xf32>,
      tpu.vector_store %arg11[%swap3A_150], %broadcast_in_dim3A_3 {strides = array<i32>} : memref<32768xf32, #tpu.memory_space<vmem>>, vector<16xf32>,
      %mul3A_152 = arith.constant 8 : i32
      %mul3A_153 = arith.muli %scan3A_135, %mul3A_152 : i32
      %add3A_154 = arith.constant 2 : i32
      %add3A_155 = arith.addi %mul3A_153, %add3A_154 : i32
      %mul3A_156 = arith.constant 16 : i32
      %mul3A_157 = arith.muli %add3A_155, %mul3A_156 : i32
      %swap3A_158 = arith.index_cast %mul3A_157 : i32 to index
      %swap3A_159 = tpu.vector_load %arg11[%swap3A_158] {strides = array<i32>} : memref<32768xf32, #tpu.memory_space<vmem>>, vector<16xf32>,
      tpu.vector_store %arg11[%swap3A_158], %broadcast_in_dim3A_3 {strides = array<i32>} : memref<32768xf32, #tpu.memory_space<vmem>>, vector<16xf32>,
      %mul3A_160 = arith.constant 8 : i32
      %mul3A_161 = arith.muli %scan3A_135, %mul3A_160 : i32
      %add3A_162 = arith.constant 3 : i32
      %add3A_163 = arith.addi %mul3A_161, %add3A_162 : i32
      %mul3A_164 = arith.constant 16 : i32
      %mul3A_165 = arith.muli %add3A_163, %mul3A_164 : i32
      %swap3A_166 = arith.index_cast %mul3A_165 : i32 to index
      %swap3A_167 = tpu.vector_load %arg11[%swap3A_166] {strides = array<i32>} : memref<32768xf32, #tpu.memory_space<vmem>>, vector<16xf32>,
      tpu.vector_store %arg11[%swap3A_166], %broadcast_in_dim3A_3 {strides = array<i32>} : memref<32768xf32, #tpu.memory_space<vmem>>, vector<16xf32>,
      %mul3A_168 = arith.constant 8 : i32
      %mul3A_169 = arith.muli %scan3A_135, %mul3A_168 : i32
      %add3A_170 = arith.constant 4 : i32
      %add3A_171 = arith.addi %mul3A_169, %add3A_170 : i32
      %mul3A_172 = arith.constant 16 : i32
      %mul3A_173 = arith.muli %add3A_171, %mul3A_172 : i32
      %swap3A_174 = arith.index_cast %mul3A_173 : i32 to index
      %swap3A_175 = tpu.vector_load %arg11[%swap3A_174] {strides = array<i32>} : memref<32768xf32, #tpu.memory_space<vmem>>, vector<16xf32>,
      tpu.vector_store %arg11[%swap3A_174], %broadcast_in_dim3A_3 {strides = array<i32>} : memref<32768xf32, #tpu.memory_space<vmem>>, vector<16xf32>,
      %mul3A_176 = arith.constant 8 : i32
      %mul3A_177 = arith.muli %scan3A_135, %mul3A_176 : i32
      %add3A_178 = arith.constant 5 : i32
      %add3A_179 = arith.addi %mul3A_177, %add3A_178 : i32
      %mul3A_180 = arith.constant 16 : i32
      %mul3A_181 = arith.muli %add3A_179, %mul3A_180 : i32
      %swap3A_182 = arith.index_cast %mul3A_181 : i32 to index
      %swap3A_183 = tpu.vector_load %arg11[%swap3A_182] {strides = array<i32>} : memref<32768xf32, #tpu.memory_space<vmem>>, vector<16xf32>,
      tpu.vector_store %arg11[%swap3A_182], %broadcast_in_dim3A_3 {strides = array<i32>} : memref<32768xf32, #tpu.memory_space<vmem>>, vector<16xf32>,
      %mul3A_184 = arith.constant 8 : i32
      %mul3A_185 = arith.muli %scan3A_135, %mul3A_184 : i32
      %add3A_186 = arith.constant 6 : i32
      %add3A_187 = arith.addi %mul3A_185, %add3A_186 : i32
      %mul3A_188 = arith.constant 16 : i32
      %mul3A_189 = arith.muli %add3A_187, %mul3A_188 : i32
      %swap3A_190 = arith.index_cast %mul3A_189 : i32 to index
      %swap3A_191 = tpu.vector_load %arg11[%swap3A_190] {strides = array<i32>} : memref<32768xf32, #tpu.memory_space<vmem>>, vector<16xf32>,
      tpu.vector_store %arg11[%swap3A_190], %broadcast_in_dim3A_3 {strides = array<i32>} : memref<32768xf32, #tpu.memory_space<vmem>>, vector<16xf32>,
      %mul3A_192 = arith.constant 8 : i32
      %mul3A_193 = arith.muli %scan3A_135, %mul3A_192 : i32
      %add3A_194 = arith.constant 7 : i32
      %add3A_195 = arith.addi %mul3A_193, %add3A_194 : i32
      %mul3A_196 = arith.constant 16 : i32
      %mul3A_197 = arith.muli %add3A_195, %mul3A_196 : i32
      %swap3A_198 = arith.index_cast %mul3A_197 : i32 to index
      %swap3A_199 = tpu.vector_load %arg11[%swap3A_198] {strides = array<i32>} : memref<32768xf32, #tpu.memory_space<vmem>>, vector<16xf32>,
      tpu.vector_store %arg11[%swap3A_198], %broadcast_in_dim3A_3 {strides = array<i32>} : memref<32768xf32, #tpu.memory_space<vmem>>, vector<16xf32>,
      %scan3A_200 = arith.constant 0 : i32
      scf.yield %scan3A_200 : i32
    }
    %scan3A_20 = arith.constant 256 : i32
    %dma_wait3A = tpu.memref_slice %arg3[%add3A_11] : memref<2000000xi32, #tpu.memory_space<hbm>> -> memref<8928xi32, #tpu.memory_space<hbm>>
    %dma_wait3A_21 = tpu.memref_slice %arg3[%add3A_11] : memref<2000000xi32, #tpu.memory_space<hbm>> -> memref<8928xi32, #tpu.memory_space<hbm>>
    tpu.wait_dma2 semaphore(%arg12 : memref<!tpu.dma_semaphore, #tpu.memory_space<semaphore_mem>>) src(%dma_wait3A_21 : memref<8928xi32, #tpu.memory_space<hbm>>) dst(%arg7 : memref<8928xi32, #tpu.memory_space<vmem>>)
    %dma_wait3A_22 = tpu.memref_slice %arg4[%add3A_11] : memref<2000000xi32, #tpu.memory_space<hbm>> -> memref<8928xi32, #tpu.memory_space<hbm>>
    %dma_wait3A_23 = tpu.memref_slice %arg4[%add3A_11] : memref<2000000xi32, #tpu.memory_space<hbm>> -> memref<8928xi32, #tpu.memory_space<hbm>>
    tpu.wait_dma2 semaphore(%arg12 : memref<!tpu.dma_semaphore, #tpu.memory_space<semaphore_mem>>) src(%dma_wait3A_23 : memref<8928xi32, #tpu.memory_space<hbm>>) dst(%arg9 : memref<8928xi32, #tpu.memory_space<vmem>>)
    %add3A_24 = arith.constant 8928 : i32
    %add3A_25 = arith.addi %mul3A_2, %add3A_24 : i32
    %dma_start3A_26 = tpu.memref_slice %arg3[%add3A_25] : memref<2000000xi32, #tpu.memory_space<hbm>> -> memref<8928xi32, #tpu.memory_space<hbm>>
    %dma_start3A_27 = tpu.memref_slice %arg3[%add3A_25] : memref<2000000xi32, #tpu.memory_space<hbm>> -> memref<8928xi32, #tpu.memory_space<hbm>>
    tpu.enqueue_dma source(%dma_start3A_27 : memref<8928xi32, #tpu.memory_space<hbm>>) target(%arg8 : memref<8928xi32, #tpu.memory_space<vmem>>) target_semaphore(%arg13 : memref<!tpu.dma_semaphore, #tpu.memory_space<semaphore_mem>>)
    %dma_start3A_28 = tpu.memref_slice %arg4[%add3A_25] : memref<2000000xi32, #tpu.memory_space<hbm>> -> memref<8928xi32, #tpu.memory_space<hbm>>
    %dma_start3A_29 = tpu.memref_slice %arg4[%add3A_25] : memref<2000000xi32, #tpu.memory_space<hbm>> -> memref<8928xi32, #tpu.memory_space<hbm>>
    tpu.enqueue_dma source(%dma_start3A_29 : memref<8928xi32, #tpu.memory_space<hbm>>) target(%arg10 : memref<8928xi32, #tpu.memory_space<vmem>>) target_semaphore(%arg13 : memref<!tpu.dma_semaphore, #tpu.memory_space<semaphore_mem>>)
    %scan3A_30 = arith.constant 0 : i32
    %scan3A_31 = arith.constant 0 : i32
    %scan3A_32 = arith.constant 62 : i32
    %scan3A_33 = arith.addi %scan3A_31, %scan3A_32 : i32
    %scan3A_34 = arith.constant 1 : i32
    %scan3A_35 = scf.for %scan3A_135 = %scan3A_31 to %scan3A_33 step %scan3A_34 iter_args(%scan3A_136 = %scan3A_30) -> (i32)  : i32 {
      %mul3A_137 = arith.constant 9 : i32
      %mul3A_138 = arith.muli %scan3A_135, %mul3A_137 : i32
      %add3A_139 = arith.constant 0 : i32
      %add3A_140 = arith.addi %mul3A_138, %add3A_139 : i32
      %add3A_141 = vector.broadcast %add3A_140 : i32 to vector<16xi32>
      %add3A_142 = arith.addi %mul3A_6, %add3A_141 : vector<16xi32>
      %gather3A = tpu.vector_load_idx %arg7[%add3A_142] : memref<8928xi32, #tpu.memory_space<vmem>>[vector<16xi32>], vector<16xi32>,
      %gather3A_143 = tpu.vector_load_idx %arg9[%add3A_142] : memref<8928xi32, #tpu.memory_space<vmem>>[vector<16xi32>], vector<16xi32>,
      %gather3A_144 = tpu.vector_load_idx %arg6[%gather3A] : memref<256xf32, #tpu.memory_space<vmem>>[vector<16xi32>], vector<16xf32>,
      tpu.vector_store_idx %arg11[%gather3A_143], %gather3A_144 {add = true} : memref<32768xf32, #tpu.memory_space<vmem>>[vector<16xi32>], vector<16xf32>,
      %mul3A_145 = arith.constant 9 : i32
      %mul3A_146 = arith.muli %scan3A_135, %mul3A_145 : i32
      %add3A_147 = arith.constant 1 : i32
      %add3A_148 = arith.addi %mul3A_146, %add3A_147 : i32
      %add3A_149 = vector.broadcast %add3A_148 : i32 to vector<16xi32>
      %add3A_150 = arith.addi %mul3A_6, %add3A_149 : vector<16xi32>
      %gather3A_151 = tpu.vector_load_idx %arg7[%add3A_150] : memref<8928xi32, #tpu.memory_space<vmem>>[vector<16xi32>], vector<16xi32>,
      %gather3A_152 = tpu.vector_load_idx %arg9[%add3A_150] : memref<8928xi32, #tpu.memory_space<vmem>>[vector<16xi32>], vector<16xi32>,
      %gather3A_153 = tpu.vector_load_idx %arg6[%gather3A_151] : memref<256xf32, #tpu.memory_space<vmem>>[vector<16xi32>], vector<16xf32>,
      tpu.vector_store_idx %arg11[%gather3A_152], %gather3A_153 {add = true} : memref<32768xf32, #tpu.memory_space<vmem>>[vector<16xi32>], vector<16xf32>,
      %mul3A_154 = arith.constant 9 : i32
      %mul3A_155 = arith.muli %scan3A_135, %mul3A_154 : i32
      %add3A_156 = arith.constant 2 : i32
      %add3A_157 = arith.addi %mul3A_155, %add3A_156 : i32
      %add3A_158 = vector.broadcast %add3A_157 : i32 to vector<16xi32>
      %add3A_159 = arith.addi %mul3A_6, %add3A_158 : vector<16xi32>
      %gather3A_160 = tpu.vector_load_idx %arg7[%add3A_159] : memref<8928xi32, #tpu.memory_space<vmem>>[vector<16xi32>], vector<16xi32>,
      %gather3A_161 = tpu.vector_load_idx %arg9[%add3A_159] : memref<8928xi32, #tpu.memory_space<vmem>>[vector<16xi32>], vector<16xi32>,
      %gather3A_162 = tpu.vector_load_idx %arg6[%gather3A_160] : memref<256xf32, #tpu.memory_space<vmem>>[vector<16xi32>], vector<16xf32>,
      tpu.vector_store_idx %arg11[%gather3A_161], %gather3A_162 {add = true} : memref<32768xf32, #tpu.memory_space<vmem>>[vector<16xi32>], vector<16xf32>,
      %mul3A_163 = arith.constant 9 : i32
      %mul3A_164 = arith.muli %scan3A_135, %mul3A_163 : i32
      %add3A_165 = arith.constant 3 : i32
      %add3A_166 = arith.addi %mul3A_164, %add3A_165 : i32
      %add3A_167 = vector.broadcast %add3A_166 : i32 to vector<16xi32>
      %add3A_168 = arith.addi %mul3A_6, %add3A_167 : vector<16xi32>
      %gather3A_169 = tpu.vector_load_idx %arg7[%add3A_168] : memref<8928xi32, #tpu.memory_space<vmem>>[vector<16xi32>], vector<16xi32>,
      %gather3A_170 = tpu.vector_load_idx %arg9[%add3A_168] : memref<8928xi32, #tpu.memory_space<vmem>>[vector<16xi32>], vector<16xi32>,
      %gather3A_171 = tpu.vector_load_idx %arg6[%gather3A_169] : memref<256xf32, #tpu.memory_space<vmem>>[vector<16xi32>], vector<16xf32>,
      tpu.vector_store_idx %arg11[%gather3A_170], %gather3A_171 {add = true} : memref<32768xf32, #tpu.memory_space<vmem>>[vector<16xi32>], vector<16xf32>,
      %mul3A_172 = arith.constant 9 : i32
      %mul3A_173 = arith.muli %scan3A_135, %mul3A_172 : i32
      %add3A_174 = arith.constant 4 : i32
      %add3A_175 = arith.addi %mul3A_173, %add3A_174 : i32
      %add3A_176 = vector.broadcast %add3A_175 : i32 to vector<16xi32>
      %add3A_177 = arith.addi %mul3A_6, %add3A_176 : vector<16xi32>
      %gather3A_178 = tpu.vector_load_idx %arg7[%add3A_177] : memref<8928xi32, #tpu.memory_space<vmem>>[vector<16xi32>], vector<16xi32>,
      %gather3A_179 = tpu.vector_load_idx %arg9[%add3A_177] : memref<8928xi32, #tpu.memory_space<vmem>>[vector<16xi32>], vector<16xi32>,
      %gather3A_180 = tpu.vector_load_idx %arg6[%gather3A_178] : memref<256xf32, #tpu.memory_space<vmem>>[vector<16xi32>], vector<16xf32>,
      tpu.vector_store_idx %arg11[%gather3A_179], %gather3A_180 {add = true} : memref<32768xf32, #tpu.memory_space<vmem>>[vector<16xi32>], vector<16xf32>,
      %mul3A_181 = arith.constant 9 : i32
      %mul3A_182 = arith.muli %scan3A_135, %mul3A_181 : i32
      %add3A_183 = arith.constant 5 : i32
      %add3A_184 = arith.addi %mul3A_182, %add3A_183 : i32
      %add3A_185 = vector.broadcast %add3A_184 : i32 to vector<16xi32>
      %add3A_186 = arith.addi %mul3A_6, %add3A_185 : vector<16xi32>
      %gather3A_187 = tpu.vector_load_idx %arg7[%add3A_186] : memref<8928xi32, #tpu.memory_space<vmem>>[vector<16xi32>], vector<16xi32>,
      %gather3A_188 = tpu.vector_load_idx %arg9[%add3A_186] : memref<8928xi32, #tpu.memory_space<vmem>>[vector<16xi32>], vector<16xi32>,
      %gather3A_189 = tpu.vector_load_idx %arg6[%gather3A_187] : memref<256xf32, #tpu.memory_space<vmem>>[vector<16xi32>], vector<16xf32>,
      tpu.vector_store_idx %arg11[%gather3A_188], %gather3A_189 {add = true} : memref<32768xf32, #tpu.memory_space<vmem>>[vector<16xi32>], vector<16xf32>,
      %mul3A_190 = arith.constant 9 : i32
      %mul3A_191 = arith.muli %scan3A_135, %mul3A_190 : i32
      %add3A_192 = arith.constant 6 : i32
      %add3A_193 = arith.addi %mul3A_191, %add3A_192 : i32
      %add3A_194 = vector.broadcast %add3A_193 : i32 to vector<16xi32>
      %add3A_195 = arith.addi %mul3A_6, %add3A_194 : vector<16xi32>
      %gather3A_196 = tpu.vector_load_idx %arg7[%add3A_195] : memref<8928xi32, #tpu.memory_space<vmem>>[vector<16xi32>], vector<16xi32>,
      %gather3A_197 = tpu.vector_load_idx %arg9[%add3A_195] : memref<8928xi32, #tpu.memory_space<vmem>>[vector<16xi32>], vector<16xi32>,
      %gather3A_198 = tpu.vector_load_idx %arg6[%gather3A_196] : memref<256xf32, #tpu.memory_space<vmem>>[vector<16xi32>], vector<16xf32>,
      tpu.vector_store_idx %arg11[%gather3A_197], %gather3A_198 {add = true} : memref<32768xf32, #tpu.memory_space<vmem>>[vector<16xi32>], vector<16xf32>,
      %mul3A_199 = arith.constant 9 : i32
      %mul3A_200 = arith.muli %scan3A_135, %mul3A_199 : i32
      %add3A_201 = arith.constant 7 : i32
      %add3A_202 = arith.addi %mul3A_200, %add3A_201 : i32
      %add3A_203 = vector.broadcast %add3A_202 : i32 to vector<16xi32>
      %add3A_204 = arith.addi %mul3A_6, %add3A_203 : vector<16xi32>
      %gather3A_205 = tpu.vector_load_idx %arg7[%add3A_204] : memref<8928xi32, #tpu.memory_space<vmem>>[vector<16xi32>], vector<16xi32>,
      %gather3A_206 = tpu.vector_load_idx %arg9[%add3A_204] : memref<8928xi32, #tpu.memory_space<vmem>>[vector<16xi32>], vector<16xi32>,
      %gather3A_207 = tpu.vector_load_idx %arg6[%gather3A_205] : memref<256xf32, #tpu.memory_space<vmem>>[vector<16xi32>], vector<16xf32>,
      tpu.vector_store_idx %arg11[%gather3A_206], %gather3A_207 {add = true} : memref<32768xf32, #tpu.memory_space<vmem>>[vector<16xi32>], vector<16xf32>,
      %mul3A_208 = arith.constant 9 : i32
      %mul3A_209 = arith.muli %scan3A_135, %mul3A_208 : i32
      %add3A_210 = arith.constant 8 : i32
      %add3A_211 = arith.addi %mul3A_209, %add3A_210 : i32
      %add3A_212 = vector.broadcast %add3A_211 : i32 to vector<16xi32>
      %add3A_213 = arith.addi %mul3A_6, %add3A_212 : vector<16xi32>
      %gather3A_214 = tpu.vector_load_idx %arg7[%add3A_213] : memref<8928xi32, #tpu.memory_space<vmem>>[vector<16xi32>], vector<16xi32>,
      %gather3A_215 = tpu.vector_load_idx %arg9[%add3A_213] : memref<8928xi32, #tpu.memory_space<vmem>>[vector<16xi32>], vector<16xi32>,
      %gather3A_216 = tpu.vector_load_idx %arg6[%gather3A_214] : memref<256xf32, #tpu.memory_space<vmem>>[vector<16xi32>], vector<16xf32>,
      tpu.vector_store_idx %arg11[%gather3A_215], %gather3A_216 {add = true} : memref<32768xf32, #tpu.memory_space<vmem>>[vector<16xi32>], vector<16xf32>,
      %scan3A_217 = arith.constant 0 : i32
      scf.yield %scan3A_217 : i32
    }
    %scan3A_36 = arith.constant 62 : i32
    %dma_wait3A_37 = tpu.memref_slice %arg3[%add3A_25] : memref<2000000xi32, #tpu.memory_space<hbm>> -> memref<8928xi32, #tpu.memory_space<hbm>>
    %dma_wait3A_38 = tpu.memref_slice %arg3[%add3A_25] : memref<2000000xi32, #tpu.memory_space<hbm>> -> memref<8928xi32, #tpu.memory_space<hbm>>
    tpu.wait_dma2 semaphore(%arg13 : memref<!tpu.dma_semaphore, #tpu.memory_space<semaphore_mem>>) src(%dma_wait3A_38 : memref<8928xi32, #tpu.memory_space<hbm>>) dst(%arg8 : memref<8928xi32, #tpu.memory_space<vmem>>)
    %dma_wait3A_39 = tpu.memref_slice %arg4[%add3A_25] : memref<2000000xi32, #tpu.memory_space<hbm>> -> memref<8928xi32, #tpu.memory_space<hbm>>
    %dma_wait3A_40 = tpu.memref_slice %arg4[%add3A_25] : memref<2000000xi32, #tpu.memory_space<hbm>> -> memref<8928xi32, #tpu.memory_space<hbm>>
    tpu.wait_dma2 semaphore(%arg13 : memref<!tpu.dma_semaphore, #tpu.memory_space<semaphore_mem>>) src(%dma_wait3A_40 : memref<8928xi32, #tpu.memory_space<hbm>>) dst(%arg10 : memref<8928xi32, #tpu.memory_space<vmem>>)
    %add3A_41 = arith.constant 17856 : i32
    %add3A_42 = arith.addi %mul3A_2, %add3A_41 : i32
    %dma_start3A_43 = tpu.memref_slice %arg3[%add3A_42] : memref<2000000xi32, #tpu.memory_space<hbm>> -> memref<8928xi32, #tpu.memory_space<hbm>>
    %dma_start3A_44 = tpu.memref_slice %arg3[%add3A_42] : memref<2000000xi32, #tpu.memory_space<hbm>> -> memref<8928xi32, #tpu.memory_space<hbm>>
    tpu.enqueue_dma source(%dma_start3A_44 : memref<8928xi32, #tpu.memory_space<hbm>>) target(%arg7 : memref<8928xi32, #tpu.memory_space<vmem>>) target_semaphore(%arg12 : memref<!tpu.dma_semaphore, #tpu.memory_space<semaphore_mem>>)
    %dma_start3A_45 = tpu.memref_slice %arg4[%add3A_42] : memref<2000000xi32, #tpu.memory_space<hbm>> -> memref<8928xi32, #tpu.memory_space<hbm>>
    %dma_start3A_46 = tpu.memref_slice %arg4[%add3A_42] : memref<2000000xi32, #tpu.memory_space<hbm>> -> memref<8928xi32, #tpu.memory_space<hbm>>
    tpu.enqueue_dma source(%dma_start3A_46 : memref<8928xi32, #tpu.memory_space<hbm>>) target(%arg9 : memref<8928xi32, #tpu.memory_space<vmem>>) target_semaphore(%arg12 : memref<!tpu.dma_semaphore, #tpu.memory_space<semaphore_mem>>)
    %scan3A_47 = arith.constant 0 : i32
    %scan3A_48 = arith.constant 0 : i32
    %scan3A_49 = arith.constant 62 : i32
    %scan3A_50 = arith.addi %scan3A_48, %scan3A_49 : i32
    %scan3A_51 = arith.constant 1 : i32
    %scan3A_52 = scf.for %scan3A_135 = %scan3A_48 to %scan3A_50 step %scan3A_51 iter_args(%scan3A_136 = %scan3A_47) -> (i32)  : i32 {
      %mul3A_137 = arith.constant 9 : i32
      %mul3A_138 = arith.muli %scan3A_135, %mul3A_137 : i32
      %add3A_139 = arith.constant 0 : i32
      %add3A_140 = arith.addi %mul3A_138, %add3A_139 : i32
      %add3A_141 = vector.broadcast %add3A_140 : i32 to vector<16xi32>
      %add3A_142 = arith.addi %mul3A_6, %add3A_141 : vector<16xi32>
      %gather3A = tpu.vector_load_idx %arg8[%add3A_142] : memref<8928xi32, #tpu.memory_space<vmem>>[vector<16xi32>], vector<16xi32>,
      %gather3A_143 = tpu.vector_load_idx %arg10[%add3A_142] : memref<8928xi32, #tpu.memory_space<vmem>>[vector<16xi32>], vector<16xi32>,
      %gather3A_144 = tpu.vector_load_idx %arg6[%gather3A] : memref<256xf32, #tpu.memory_space<vmem>>[vector<16xi32>], vector<16xf32>,
      tpu.vector_store_idx %arg11[%gather3A_143], %gather3A_144 {add = true} : memref<32768xf32, #tpu.memory_space<vmem>>[vector<16xi32>], vector<16xf32>,
      %mul3A_145 = arith.constant 9 : i32
      %mul3A_146 = arith.muli %scan3A_135, %mul3A_145 : i32
      %add3A_147 = arith.constant 1 : i32
      %add3A_148 = arith.addi %mul3A_146, %add3A_147 : i32
      %add3A_149 = vector.broadcast %add3A_148 : i32 to vector<16xi32>
      %add3A_150 = arith.addi %mul3A_6, %add3A_149 : vector<16xi32>
      %gather3A_151 = tpu.vector_load_idx %arg8[%add3A_150] : memref<8928xi32, #tpu.memory_space<vmem>>[vector<16xi32>], vector<16xi32>,
      %gather3A_152 = tpu.vector_load_idx %arg10[%add3A_150] : memref<8928xi32, #tpu.memory_space<vmem>>[vector<16xi32>], vector<16xi32>,
      %gather3A_153 = tpu.vector_load_idx %arg6[%gather3A_151] : memref<256xf32, #tpu.memory_space<vmem>>[vector<16xi32>], vector<16xf32>,
      tpu.vector_store_idx %arg11[%gather3A_152], %gather3A_153 {add = true} : memref<32768xf32, #tpu.memory_space<vmem>>[vector<16xi32>], vector<16xf32>,
      %mul3A_154 = arith.constant 9 : i32
      %mul3A_155 = arith.muli %scan3A_135, %mul3A_154 : i32
      %add3A_156 = arith.constant 2 : i32
      %add3A_157 = arith.addi %mul3A_155, %add3A_156 : i32
      %add3A_158 = vector.broadcast %add3A_157 : i32 to vector<16xi32>
      %add3A_159 = arith.addi %mul3A_6, %add3A_158 : vector<16xi32>
      %gather3A_160 = tpu.vector_load_idx %arg8[%add3A_159] : memref<8928xi32, #tpu.memory_space<vmem>>[vector<16xi32>], vector<16xi32>,
      %gather3A_161 = tpu.vector_load_idx %arg10[%add3A_159] : memref<8928xi32, #tpu.memory_space<vmem>>[vector<16xi32>], vector<16xi32>,
      %gather3A_162 = tpu.vector_load_idx %arg6[%gather3A_160] : memref<256xf32, #tpu.memory_space<vmem>>[vector<16xi32>], vector<16xf32>,
      tpu.vector_store_idx %arg11[%gather3A_161], %gather3A_162 {add = true} : memref<32768xf32, #tpu.memory_space<vmem>>[vector<16xi32>], vector<16xf32>,
      %mul3A_163 = arith.constant 9 : i32
      %mul3A_164 = arith.muli %scan3A_135, %mul3A_163 : i32
      %add3A_165 = arith.constant 3 : i32
      %add3A_166 = arith.addi %mul3A_164, %add3A_165 : i32
      %add3A_167 = vector.broadcast %add3A_166 : i32 to vector<16xi32>
      %add3A_168 = arith.addi %mul3A_6, %add3A_167 : vector<16xi32>
      %gather3A_169 = tpu.vector_load_idx %arg8[%add3A_168] : memref<8928xi32, #tpu.memory_space<vmem>>[vector<16xi32>], vector<16xi32>,
      %gather3A_170 = tpu.vector_load_idx %arg10[%add3A_168] : memref<8928xi32, #tpu.memory_space<vmem>>[vector<16xi32>], vector<16xi32>,
      %gather3A_171 = tpu.vector_load_idx %arg6[%gather3A_169] : memref<256xf32, #tpu.memory_space<vmem>>[vector<16xi32>], vector<16xf32>,
      tpu.vector_store_idx %arg11[%gather3A_170], %gather3A_171 {add = true} : memref<32768xf32, #tpu.memory_space<vmem>>[vector<16xi32>], vector<16xf32>,
      %mul3A_172 = arith.constant 9 : i32
      %mul3A_173 = arith.muli %scan3A_135, %mul3A_172 : i32
      %add3A_174 = arith.constant 4 : i32
      %add3A_175 = arith.addi %mul3A_173, %add3A_174 : i32
      %add3A_176 = vector.broadcast %add3A_175 : i32 to vector<16xi32>
      %add3A_177 = arith.addi %mul3A_6, %add3A_176 : vector<16xi32>
      %gather3A_178 = tpu.vector_load_idx %arg8[%add3A_177] : memref<8928xi32, #tpu.memory_space<vmem>>[vector<16xi32>], vector<16xi32>,
      %gather3A_179 = tpu.vector_load_idx %arg10[%add3A_177] : memref<8928xi32, #tpu.memory_space<vmem>>[vector<16xi32>], vector<16xi32>,
      %gather3A_180 = tpu.vector_load_idx %arg6[%gather3A_178] : memref<256xf32, #tpu.memory_space<vmem>>[vector<16xi32>], vector<16xf32>,
      tpu.vector_store_idx %arg11[%gather3A_179], %gather3A_180 {add = true} : memref<32768xf32, #tpu.memory_space<vmem>>[vector<16xi32>], vector<16xf32>,
      %mul3A_181 = arith.constant 9 : i32
      %mul3A_182 = arith.muli %scan3A_135, %mul3A_181 : i32
      %add3A_183 = arith.constant 5 : i32
      %add3A_184 = arith.addi %mul3A_182, %add3A_183 : i32
      %add3A_185 = vector.broadcast %add3A_184 : i32 to vector<16xi32>
      %add3A_186 = arith.addi %mul3A_6, %add3A_185 : vector<16xi32>
      %gather3A_187 = tpu.vector_load_idx %arg8[%add3A_186] : memref<8928xi32, #tpu.memory_space<vmem>>[vector<16xi32>], vector<16xi32>,
      %gather3A_188 = tpu.vector_load_idx %arg10[%add3A_186] : memref<8928xi32, #tpu.memory_space<vmem>>[vector<16xi32>], vector<16xi32>,
      %gather3A_189 = tpu.vector_load_idx %arg6[%gather3A_187] : memref<256xf32, #tpu.memory_space<vmem>>[vector<16xi32>], vector<16xf32>,
      tpu.vector_store_idx %arg11[%gather3A_188], %gather3A_189 {add = true} : memref<32768xf32, #tpu.memory_space<vmem>>[vector<16xi32>], vector<16xf32>,
      %mul3A_190 = arith.constant 9 : i32
      %mul3A_191 = arith.muli %scan3A_135, %mul3A_190 : i32
      %add3A_192 = arith.constant 6 : i32
      %add3A_193 = arith.addi %mul3A_191, %add3A_192 : i32
      %add3A_194 = vector.broadcast %add3A_193 : i32 to vector<16xi32>
      %add3A_195 = arith.addi %mul3A_6, %add3A_194 : vector<16xi32>
      %gather3A_196 = tpu.vector_load_idx %arg8[%add3A_195] : memref<8928xi32, #tpu.memory_space<vmem>>[vector<16xi32>], vector<16xi32>,
      %gather3A_197 = tpu.vector_load_idx %arg10[%add3A_195] : memref<8928xi32, #tpu.memory_space<vmem>>[vector<16xi32>], vector<16xi32>,
      %gather3A_198 = tpu.vector_load_idx %arg6[%gather3A_196] : memref<256xf32, #tpu.memory_space<vmem>>[vector<16xi32>], vector<16xf32>,
      tpu.vector_store_idx %arg11[%gather3A_197], %gather3A_198 {add = true} : memref<32768xf32, #tpu.memory_space<vmem>>[vector<16xi32>], vector<16xf32>,
      %mul3A_199 = arith.constant 9 : i32
      %mul3A_200 = arith.muli %scan3A_135, %mul3A_199 : i32
      %add3A_201 = arith.constant 7 : i32
      %add3A_202 = arith.addi %mul3A_200, %add3A_201 : i32
      %add3A_203 = vector.broadcast %add3A_202 : i32 to vector<16xi32>
      %add3A_204 = arith.addi %mul3A_6, %add3A_203 : vector<16xi32>
      %gather3A_205 = tpu.vector_load_idx %arg8[%add3A_204] : memref<8928xi32, #tpu.memory_space<vmem>>[vector<16xi32>], vector<16xi32>,
      %gather3A_206 = tpu.vector_load_idx %arg10[%add3A_204] : memref<8928xi32, #tpu.memory_space<vmem>>[vector<16xi32>], vector<16xi32>,
      %gather3A_207 = tpu.vector_load_idx %arg6[%gather3A_205] : memref<256xf32, #tpu.memory_space<vmem>>[vector<16xi32>], vector<16xf32>,
      tpu.vector_store_idx %arg11[%gather3A_206], %gather3A_207 {add = true} : memref<32768xf32, #tpu.memory_space<vmem>>[vector<16xi32>], vector<16xf32>,
      %mul3A_208 = arith.constant 9 : i32
      %mul3A_209 = arith.muli %scan3A_135, %mul3A_208 : i32
      %add3A_210 = arith.constant 8 : i32
      %add3A_211 = arith.addi %mul3A_209, %add3A_210 : i32
      %add3A_212 = vector.broadcast %add3A_211 : i32 to vector<16xi32>
      %add3A_213 = arith.addi %mul3A_6, %add3A_212 : vector<16xi32>
      %gather3A_214 = tpu.vector_load_idx %arg8[%add3A_213] : memref<8928xi32, #tpu.memory_space<vmem>>[vector<16xi32>], vector<16xi32>,
      %gather3A_215 = tpu.vector_load_idx %arg10[%add3A_213] : memref<8928xi32, #tpu.memory_space<vmem>>[vector<16xi32>], vector<16xi32>,
      %gather3A_216 = tpu.vector_load_idx %arg6[%gather3A_214] : memref<256xf32, #tpu.memory_space<vmem>>[vector<16xi32>], vector<16xf32>,
      tpu.vector_store_idx %arg11[%gather3A_215], %gather3A_216 {add = true} : memref<32768xf32, #tpu.memory_space<vmem>>[vector<16xi32>], vector<16xf32>,
      %scan3A_217 = arith.constant 0 : i32
      scf.yield %scan3A_217 : i32
    }
    %scan3A_53 = arith.constant 62 : i32
    %dma_wait3A_54 = tpu.memref_slice %arg3[%add3A_42] : memref<2000000xi32, #tpu.memory_space<hbm>> -> memref<8928xi32, #tpu.memory_space<hbm>>
    %dma_wait3A_55 = tpu.memref_slice %arg3[%add3A_42] : memref<2000000xi32, #tpu.memory_space<hbm>> -> memref<8928xi32, #tpu.memory_space<hbm>>
    tpu.wait_dma2 semaphore(%arg12 : memref<!tpu.dma_semaphore, #tpu.memory_space<semaphore_mem>>) src(%dma_wait3A_55 : memref<8928xi32, #tpu.memory_space<hbm>>) dst(%arg7 : memref<8928xi32, #tpu.memory_space<vmem>>)
    %dma_wait3A_56 = tpu.memref_slice %arg4[%add3A_42] : memref<2000000xi32, #tpu.memory_space<hbm>> -> memref<8928xi32, #tpu.memory_space<hbm>>
    %dma_wait3A_57 = tpu.memref_slice %arg4[%add3A_42] : memref<2000000xi32, #tpu.memory_space<hbm>> -> memref<8928xi32, #tpu.memory_space<hbm>>
    tpu.wait_dma2 semaphore(%arg12 : memref<!tpu.dma_semaphore, #tpu.memory_space<semaphore_mem>>) src(%dma_wait3A_57 : memref<8928xi32, #tpu.memory_space<hbm>>) dst(%arg9 : memref<8928xi32, #tpu.memory_space<vmem>>)
    %add3A_58 = arith.constant 26784 : i32
    %add3A_59 = arith.addi %mul3A_2, %add3A_58 : i32
    %dma_start3A_60 = tpu.memref_slice %arg3[%add3A_59] : memref<2000000xi32, #tpu.memory_space<hbm>> -> memref<8928xi32, #tpu.memory_space<hbm>>
    %dma_start3A_61 = tpu.memref_slice %arg3[%add3A_59] : memref<2000000xi32, #tpu.memory_space<hbm>> -> memref<8928xi32, #tpu.memory_space<hbm>>
    tpu.enqueue_dma source(%dma_start3A_61 : memref<8928xi32, #tpu.memory_space<hbm>>) target(%arg8 : memref<8928xi32, #tpu.memory_space<vmem>>) target_semaphore(%arg13 : memref<!tpu.dma_semaphore, #tpu.memory_space<semaphore_mem>>)
    %dma_start3A_62 = tpu.memref_slice %arg4[%add3A_59] : memref<2000000xi32, #tpu.memory_space<hbm>> -> memref<8928xi32, #tpu.memory_space<hbm>>
    %dma_start3A_63 = tpu.memref_slice %arg4[%add3A_59] : memref<2000000xi32, #tpu.memory_space<hbm>> -> memref<8928xi32, #tpu.memory_space<hbm>>
    tpu.enqueue_dma source(%dma_start3A_63 : memref<8928xi32, #tpu.memory_space<hbm>>) target(%arg10 : memref<8928xi32, #tpu.memory_space<vmem>>) target_semaphore(%arg13 : memref<!tpu.dma_semaphore, #tpu.memory_space<semaphore_mem>>)
    %scan3A_64 = arith.constant 0 : i32
    %scan3A_65 = arith.constant 0 : i32
    %scan3A_66 = arith.constant 62 : i32
    %scan3A_67 = arith.addi %scan3A_65, %scan3A_66 : i32
    %scan3A_68 = arith.constant 1 : i32
    %scan3A_69 = scf.for %scan3A_135 = %scan3A_65 to %scan3A_67 step %scan3A_68 iter_args(%scan3A_136 = %scan3A_64) -> (i32)  : i32 {
      %mul3A_137 = arith.constant 9 : i32
      %mul3A_138 = arith.muli %scan3A_135, %mul3A_137 : i32
      %add3A_139 = arith.constant 0 : i32
      %add3A_140 = arith.addi %mul3A_138, %add3A_139 : i32
      %add3A_141 = vector.broadcast %add3A_140 : i32 to vector<16xi32>
      %add3A_142 = arith.addi %mul3A_6, %add3A_141 : vector<16xi32>
      %gather3A = tpu.vector_load_idx %arg7[%add3A_142] : memref<8928xi32, #tpu.memory_space<vmem>>[vector<16xi32>], vector<16xi32>,
      %gather3A_143 = tpu.vector_load_idx %arg9[%add3A_142] : memref<8928xi32, #tpu.memory_space<vmem>>[vector<16xi32>], vector<16xi32>,
      %gather3A_144 = tpu.vector_load_idx %arg6[%gather3A] : memref<256xf32, #tpu.memory_space<vmem>>[vector<16xi32>], vector<16xf32>,
      tpu.vector_store_idx %arg11[%gather3A_143], %gather3A_144 {add = true} : memref<32768xf32, #tpu.memory_space<vmem>>[vector<16xi32>], vector<16xf32>,
      %mul3A_145 = arith.constant 9 : i32
      %mul3A_146 = arith.muli %scan3A_135, %mul3A_145 : i32
      %add3A_147 = arith.constant 1 : i32
      %add3A_148 = arith.addi %mul3A_146, %add3A_147 : i32
      %add3A_149 = vector.broadcast %add3A_148 : i32 to vector<16xi32>
      %add3A_150 = arith.addi %mul3A_6, %add3A_149 : vector<16xi32>
      %gather3A_151 = tpu.vector_load_idx %arg7[%add3A_150] : memref<8928xi32, #tpu.memory_space<vmem>>[vector<16xi32>], vector<16xi32>,
      %gather3A_152 = tpu.vector_load_idx %arg9[%add3A_150] : memref<8928xi32, #tpu.memory_space<vmem>>[vector<16xi32>], vector<16xi32>,
      %gather3A_153 = tpu.vector_load_idx %arg6[%gather3A_151] : memref<256xf32, #tpu.memory_space<vmem>>[vector<16xi32>], vector<16xf32>,
      tpu.vector_store_idx %arg11[%gather3A_152], %gather3A_153 {add = true} : memref<32768xf32, #tpu.memory_space<vmem>>[vector<16xi32>], vector<16xf32>,
      %mul3A_154 = arith.constant 9 : i32
      %mul3A_155 = arith.muli %scan3A_135, %mul3A_154 : i32
      %add3A_156 = arith.constant 2 : i32
      %add3A_157 = arith.addi %mul3A_155, %add3A_156 : i32
      %add3A_158 = vector.broadcast %add3A_157 : i32 to vector<16xi32>
      %add3A_159 = arith.addi %mul3A_6, %add3A_158 : vector<16xi32>
      %gather3A_160 = tpu.vector_load_idx %arg7[%add3A_159] : memref<8928xi32, #tpu.memory_space<vmem>>[vector<16xi32>], vector<16xi32>,
      %gather3A_161 = tpu.vector_load_idx %arg9[%add3A_159] : memref<8928xi32, #tpu.memory_space<vmem>>[vector<16xi32>], vector<16xi32>,
      %gather3A_162 = tpu.vector_load_idx %arg6[%gather3A_160] : memref<256xf32, #tpu.memory_space<vmem>>[vector<16xi32>], vector<16xf32>,
      tpu.vector_store_idx %arg11[%gather3A_161], %gather3A_162 {add = true} : memref<32768xf32, #tpu.memory_space<vmem>>[vector<16xi32>], vector<16xf32>,
      %mul3A_163 = arith.constant 9 : i32
      %mul3A_164 = arith.muli %scan3A_135, %mul3A_163 : i32
      %add3A_165 = arith.constant 3 : i32
      %add3A_166 = arith.addi %mul3A_164, %add3A_165 : i32
      %add3A_167 = vector.broadcast %add3A_166 : i32 to vector<16xi32>
      %add3A_168 = arith.addi %mul3A_6, %add3A_167 : vector<16xi32>
      %gather3A_169 = tpu.vector_load_idx %arg7[%add3A_168] : memref<8928xi32, #tpu.memory_space<vmem>>[vector<16xi32>], vector<16xi32>,
      %gather3A_170 = tpu.vector_load_idx %arg9[%add3A_168] : memref<8928xi32, #tpu.memory_space<vmem>>[vector<16xi32>], vector<16xi32>,
      %gather3A_171 = tpu.vector_load_idx %arg6[%gather3A_169] : memref<256xf32, #tpu.memory_space<vmem>>[vector<16xi32>], vector<16xf32>,
      tpu.vector_store_idx %arg11[%gather3A_170], %gather3A_171 {add = true} : memref<32768xf32, #tpu.memory_space<vmem>>[vector<16xi32>], vector<16xf32>,
      %mul3A_172 = arith.constant 9 : i32
      %mul3A_173 = arith.muli %scan3A_135, %mul3A_172 : i32
      %add3A_174 = arith.constant 4 : i32
      %add3A_175 = arith.addi %mul3A_173, %add3A_174 : i32
      %add3A_176 = vector.broadcast %add3A_175 : i32 to vector<16xi32>
      %add3A_177 = arith.addi %mul3A_6, %add3A_176 : vector<16xi32>
      %gather3A_178 = tpu.vector_load_idx %arg7[%add3A_177] : memref<8928xi32, #tpu.memory_space<vmem>>[vector<16xi32>], vector<16xi32>,
      %gather3A_179 = tpu.vector_load_idx %arg9[%add3A_177] : memref<8928xi32, #tpu.memory_space<vmem>>[vector<16xi32>], vector<16xi32>,
      %gather3A_180 = tpu.vector_load_idx %arg6[%gather3A_178] : memref<256xf32, #tpu.memory_space<vmem>>[vector<16xi32>], vector<16xf32>,
      tpu.vector_store_idx %arg11[%gather3A_179], %gather3A_180 {add = true} : memref<32768xf32, #tpu.memory_space<vmem>>[vector<16xi32>], vector<16xf32>,
      %mul3A_181 = arith.constant 9 : i32
      %mul3A_182 = arith.muli %scan3A_135, %mul3A_181 : i32
      %add3A_183 = arith.constant 5 : i32
      %add3A_184 = arith.addi %mul3A_182, %add3A_183 : i32
      %add3A_185 = vector.broadcast %add3A_184 : i32 to vector<16xi32>
      %add3A_186 = arith.addi %mul3A_6, %add3A_185 : vector<16xi32>
      %gather3A_187 = tpu.vector_load_idx %arg7[%add3A_186] : memref<8928xi32, #tpu.memory_space<vmem>>[vector<16xi32>], vector<16xi32>,
      %gather3A_188 = tpu.vector_load_idx %arg9[%add3A_186] : memref<8928xi32, #tpu.memory_space<vmem>>[vector<16xi32>], vector<16xi32>,
      %gather3A_189 = tpu.vector_load_idx %arg6[%gather3A_187] : memref<256xf32, #tpu.memory_space<vmem>>[vector<16xi32>], vector<16xf32>,
      tpu.vector_store_idx %arg11[%gather3A_188], %gather3A_189 {add = true} : memref<32768xf32, #tpu.memory_space<vmem>>[vector<16xi32>], vector<16xf32>,
      %mul3A_190 = arith.constant 9 : i32
      %mul3A_191 = arith.muli %scan3A_135, %mul3A_190 : i32
      %add3A_192 = arith.constant 6 : i32
      %add3A_193 = arith.addi %mul3A_191, %add3A_192 : i32
      %add3A_194 = vector.broadcast %add3A_193 : i32 to vector<16xi32>
      %add3A_195 = arith.addi %mul3A_6, %add3A_194 : vector<16xi32>
      %gather3A_196 = tpu.vector_load_idx %arg7[%add3A_195] : memref<8928xi32, #tpu.memory_space<vmem>>[vector<16xi32>], vector<16xi32>,
      %gather3A_197 = tpu.vector_load_idx %arg9[%add3A_195] : memref<8928xi32, #tpu.memory_space<vmem>>[vector<16xi32>], vector<16xi32>,
      %gather3A_198 = tpu.vector_load_idx %arg6[%gather3A_196] : memref<256xf32, #tpu.memory_space<vmem>>[vector<16xi32>], vector<16xf32>,
      tpu.vector_store_idx %arg11[%gather3A_197], %gather3A_198 {add = true} : memref<32768xf32, #tpu.memory_space<vmem>>[vector<16xi32>], vector<16xf32>,
      %mul3A_199 = arith.constant 9 : i32
      %mul3A_200 = arith.muli %scan3A_135, %mul3A_199 : i32
      %add3A_201 = arith.constant 7 : i32
      %add3A_202 = arith.addi %mul3A_200, %add3A_201 : i32
      %add3A_203 = vector.broadcast %add3A_202 : i32 to vector<16xi32>
      %add3A_204 = arith.addi %mul3A_6, %add3A_203 : vector<16xi32>
      %gather3A_205 = tpu.vector_load_idx %arg7[%add3A_204] : memref<8928xi32, #tpu.memory_space<vmem>>[vector<16xi32>], vector<16xi32>,
      %gather3A_206 = tpu.vector_load_idx %arg9[%add3A_204] : memref<8928xi32, #tpu.memory_space<vmem>>[vector<16xi32>], vector<16xi32>,
      %gather3A_207 = tpu.vector_load_idx %arg6[%gather3A_205] : memref<256xf32, #tpu.memory_space<vmem>>[vector<16xi32>], vector<16xf32>,
      tpu.vector_store_idx %arg11[%gather3A_206], %gather3A_207 {add = true} : memref<32768xf32, #tpu.memory_space<vmem>>[vector<16xi32>], vector<16xf32>,
      %mul3A_208 = arith.constant 9 : i32
      %mul3A_209 = arith.muli %scan3A_135, %mul3A_208 : i32
      %add3A_210 = arith.constant 8 : i32
      %add3A_211 = arith.addi %mul3A_209, %add3A_210 : i32
      %add3A_212 = vector.broadcast %add3A_211 : i32 to vector<16xi32>
      %add3A_213 = arith.addi %mul3A_6, %add3A_212 : vector<16xi32>
      %gather3A_214 = tpu.vector_load_idx %arg7[%add3A_213] : memref<8928xi32, #tpu.memory_space<vmem>>[vector<16xi32>], vector<16xi32>,
      %gather3A_215 = tpu.vector_load_idx %arg9[%add3A_213] : memref<8928xi32, #tpu.memory_space<vmem>>[vector<16xi32>], vector<16xi32>,
      %gather3A_216 = tpu.vector_load_idx %arg6[%gather3A_214] : memref<256xf32, #tpu.memory_space<vmem>>[vector<16xi32>], vector<16xf32>,
      tpu.vector_store_idx %arg11[%gather3A_215], %gather3A_216 {add = true} : memref<32768xf32, #tpu.memory_space<vmem>>[vector<16xi32>], vector<16xf32>,
      %scan3A_217 = arith.constant 0 : i32
      scf.yield %scan3A_217 : i32
    }
    %scan3A_70 = arith.constant 62 : i32
    %dma_wait3A_71 = tpu.memref_slice %arg3[%add3A_59] : memref<2000000xi32, #tpu.memory_space<hbm>> -> memref<8928xi32, #tpu.memory_space<hbm>>
    %dma_wait3A_72 = tpu.memref_slice %arg3[%add3A_59] : memref<2000000xi32, #tpu.memory_space<hbm>> -> memref<8928xi32, #tpu.memory_space<hbm>>
    tpu.wait_dma2 semaphore(%arg13 : memref<!tpu.dma_semaphore, #tpu.memory_space<semaphore_mem>>) src(%dma_wait3A_72 : memref<8928xi32, #tpu.memory_space<hbm>>) dst(%arg8 : memref<8928xi32, #tpu.memory_space<vmem>>)
    %dma_wait3A_73 = tpu.memref_slice %arg4[%add3A_59] : memref<2000000xi32, #tpu.memory_space<hbm>> -> memref<8928xi32, #tpu.memory_space<hbm>>
    %dma_wait3A_74 = tpu.memref_slice %arg4[%add3A_59] : memref<2000000xi32, #tpu.memory_space<hbm>> -> memref<8928xi32, #tpu.memory_space<hbm>>
    tpu.wait_dma2 semaphore(%arg13 : memref<!tpu.dma_semaphore, #tpu.memory_space<semaphore_mem>>) src(%dma_wait3A_74 : memref<8928xi32, #tpu.memory_space<hbm>>) dst(%arg10 : memref<8928xi32, #tpu.memory_space<vmem>>)
    %add3A_75 = arith.constant 35712 : i32
    %add3A_76 = arith.addi %mul3A_2, %add3A_75 : i32
    %dma_start3A_77 = tpu.memref_slice %arg3[%add3A_76] : memref<2000000xi32, #tpu.memory_space<hbm>> -> memref<8928xi32, #tpu.memory_space<hbm>>
    %dma_start3A_78 = tpu.memref_slice %arg3[%add3A_76] : memref<2000000xi32, #tpu.memory_space<hbm>> -> memref<8928xi32, #tpu.memory_space<hbm>>
    tpu.enqueue_dma source(%dma_start3A_78 : memref<8928xi32, #tpu.memory_space<hbm>>) target(%arg7 : memref<8928xi32, #tpu.memory_space<vmem>>) target_semaphore(%arg12 : memref<!tpu.dma_semaphore, #tpu.memory_space<semaphore_mem>>)
    %dma_start3A_79 = tpu.memref_slice %arg4[%add3A_76] : memref<2000000xi32, #tpu.memory_space<hbm>> -> memref<8928xi32, #tpu.memory_space<hbm>>
    %dma_start3A_80 = tpu.memref_slice %arg4[%add3A_76] : memref<2000000xi32, #tpu.memory_space<hbm>> -> memref<8928xi32, #tpu.memory_space<hbm>>
    tpu.enqueue_dma source(%dma_start3A_80 : memref<8928xi32, #tpu.memory_space<hbm>>) target(%arg9 : memref<8928xi32, #tpu.memory_space<vmem>>) target_semaphore(%arg12 : memref<!tpu.dma_semaphore, #tpu.memory_space<semaphore_mem>>)
    %scan3A_81 = arith.constant 0 : i32
    %scan3A_82 = arith.constant 0 : i32
    %scan3A_83 = arith.constant 62 : i32
    %scan3A_84 = arith.addi %scan3A_82, %scan3A_83 : i32
    %scan3A_85 = arith.constant 1 : i32
    %scan3A_86 = scf.for %scan3A_135 = %scan3A_82 to %scan3A_84 step %scan3A_85 iter_args(%scan3A_136 = %scan3A_81) -> (i32)  : i32 {
      %mul3A_137 = arith.constant 9 : i32
      %mul3A_138 = arith.muli %scan3A_135, %mul3A_137 : i32
      %add3A_139 = arith.constant 0 : i32
      %add3A_140 = arith.addi %mul3A_138, %add3A_139 : i32
      %add3A_141 = vector.broadcast %add3A_140 : i32 to vector<16xi32>
      %add3A_142 = arith.addi %mul3A_6, %add3A_141 : vector<16xi32>
      %gather3A = tpu.vector_load_idx %arg8[%add3A_142] : memref<8928xi32, #tpu.memory_space<vmem>>[vector<16xi32>], vector<16xi32>,
      %gather3A_143 = tpu.vector_load_idx %arg10[%add3A_142] : memref<8928xi32, #tpu.memory_space<vmem>>[vector<16xi32>], vector<16xi32>,
      %gather3A_144 = tpu.vector_load_idx %arg6[%gather3A] : memref<256xf32, #tpu.memory_space<vmem>>[vector<16xi32>], vector<16xf32>,
      tpu.vector_store_idx %arg11[%gather3A_143], %gather3A_144 {add = true} : memref<32768xf32, #tpu.memory_space<vmem>>[vector<16xi32>], vector<16xf32>,
      %mul3A_145 = arith.constant 9 : i32
      %mul3A_146 = arith.muli %scan3A_135, %mul3A_145 : i32
      %add3A_147 = arith.constant 1 : i32
      %add3A_148 = arith.addi %mul3A_146, %add3A_147 : i32
      %add3A_149 = vector.broadcast %add3A_148 : i32 to vector<16xi32>
      %add3A_150 = arith.addi %mul3A_6, %add3A_149 : vector<16xi32>
      %gather3A_151 = tpu.vector_load_idx %arg8[%add3A_150] : memref<8928xi32, #tpu.memory_space<vmem>>[vector<16xi32>], vector<16xi32>,
      %gather3A_152 = tpu.vector_load_idx %arg10[%add3A_150] : memref<8928xi32, #tpu.memory_space<vmem>>[vector<16xi32>], vector<16xi32>,
      %gather3A_153 = tpu.vector_load_idx %arg6[%gather3A_151] : memref<256xf32, #tpu.memory_space<vmem>>[vector<16xi32>], vector<16xf32>,
      tpu.vector_store_idx %arg11[%gather3A_152], %gather3A_153 {add = true} : memref<32768xf32, #tpu.memory_space<vmem>>[vector<16xi32>], vector<16xf32>,
      %mul3A_154 = arith.constant 9 : i32
      %mul3A_155 = arith.muli %scan3A_135, %mul3A_154 : i32
      %add3A_156 = arith.constant 2 : i32
      %add3A_157 = arith.addi %mul3A_155, %add3A_156 : i32
      %add3A_158 = vector.broadcast %add3A_157 : i32 to vector<16xi32>
      %add3A_159 = arith.addi %mul3A_6, %add3A_158 : vector<16xi32>
      %gather3A_160 = tpu.vector_load_idx %arg8[%add3A_159] : memref<8928xi32, #tpu.memory_space<vmem>>[vector<16xi32>], vector<16xi32>,
      %gather3A_161 = tpu.vector_load_idx %arg10[%add3A_159] : memref<8928xi32, #tpu.memory_space<vmem>>[vector<16xi32>], vector<16xi32>,
      %gather3A_162 = tpu.vector_load_idx %arg6[%gather3A_160] : memref<256xf32, #tpu.memory_space<vmem>>[vector<16xi32>], vector<16xf32>,
      tpu.vector_store_idx %arg11[%gather3A_161], %gather3A_162 {add = true} : memref<32768xf32, #tpu.memory_space<vmem>>[vector<16xi32>], vector<16xf32>,
      %mul3A_163 = arith.constant 9 : i32
      %mul3A_164 = arith.muli %scan3A_135, %mul3A_163 : i32
      %add3A_165 = arith.constant 3 : i32
      %add3A_166 = arith.addi %mul3A_164, %add3A_165 : i32
      %add3A_167 = vector.broadcast %add3A_166 : i32 to vector<16xi32>
      %add3A_168 = arith.addi %mul3A_6, %add3A_167 : vector<16xi32>
      %gather3A_169 = tpu.vector_load_idx %arg8[%add3A_168] : memref<8928xi32, #tpu.memory_space<vmem>>[vector<16xi32>], vector<16xi32>,
      %gather3A_170 = tpu.vector_load_idx %arg10[%add3A_168] : memref<8928xi32, #tpu.memory_space<vmem>>[vector<16xi32>], vector<16xi32>,
      %gather3A_171 = tpu.vector_load_idx %arg6[%gather3A_169] : memref<256xf32, #tpu.memory_space<vmem>>[vector<16xi32>], vector<16xf32>,
      tpu.vector_store_idx %arg11[%gather3A_170], %gather3A_171 {add = true} : memref<32768xf32, #tpu.memory_space<vmem>>[vector<16xi32>], vector<16xf32>,
      %mul3A_172 = arith.constant 9 : i32
      %mul3A_173 = arith.muli %scan3A_135, %mul3A_172 : i32
      %add3A_174 = arith.constant 4 : i32
      %add3A_175 = arith.addi %mul3A_173, %add3A_174 : i32
      %add3A_176 = vector.broadcast %add3A_175 : i32 to vector<16xi32>
      %add3A_177 = arith.addi %mul3A_6, %add3A_176 : vector<16xi32>
      %gather3A_178 = tpu.vector_load_idx %arg8[%add3A_177] : memref<8928xi32, #tpu.memory_space<vmem>>[vector<16xi32>], vector<16xi32>,
      %gather3A_179 = tpu.vector_load_idx %arg10[%add3A_177] : memref<8928xi32, #tpu.memory_space<vmem>>[vector<16xi32>], vector<16xi32>,
      %gather3A_180 = tpu.vector_load_idx %arg6[%gather3A_178] : memref<256xf32, #tpu.memory_space<vmem>>[vector<16xi32>], vector<16xf32>,
      tpu.vector_store_idx %arg11[%gather3A_179], %gather3A_180 {add = true} : memref<32768xf32, #tpu.memory_space<vmem>>[vector<16xi32>], vector<16xf32>,
      %mul3A_181 = arith.constant 9 : i32
      %mul3A_182 = arith.muli %scan3A_135, %mul3A_181 : i32
      %add3A_183 = arith.constant 5 : i32
      %add3A_184 = arith.addi %mul3A_182, %add3A_183 : i32
      %add3A_185 = vector.broadcast %add3A_184 : i32 to vector<16xi32>
      %add3A_186 = arith.addi %mul3A_6, %add3A_185 : vector<16xi32>
      %gather3A_187 = tpu.vector_load_idx %arg8[%add3A_186] : memref<8928xi32, #tpu.memory_space<vmem>>[vector<16xi32>], vector<16xi32>,
      %gather3A_188 = tpu.vector_load_idx %arg10[%add3A_186] : memref<8928xi32, #tpu.memory_space<vmem>>[vector<16xi32>], vector<16xi32>,
      %gather3A_189 = tpu.vector_load_idx %arg6[%gather3A_187] : memref<256xf32, #tpu.memory_space<vmem>>[vector<16xi32>], vector<16xf32>,
      tpu.vector_store_idx %arg11[%gather3A_188], %gather3A_189 {add = true} : memref<32768xf32, #tpu.memory_space<vmem>>[vector<16xi32>], vector<16xf32>,
      %mul3A_190 = arith.constant 9 : i32
      %mul3A_191 = arith.muli %scan3A_135, %mul3A_190 : i32
      %add3A_192 = arith.constant 6 : i32
      %add3A_193 = arith.addi %mul3A_191, %add3A_192 : i32
      %add3A_194 = vector.broadcast %add3A_193 : i32 to vector<16xi32>
      %add3A_195 = arith.addi %mul3A_6, %add3A_194 : vector<16xi32>
      %gather3A_196 = tpu.vector_load_idx %arg8[%add3A_195] : memref<8928xi32, #tpu.memory_space<vmem>>[vector<16xi32>], vector<16xi32>,
      %gather3A_197 = tpu.vector_load_idx %arg10[%add3A_195] : memref<8928xi32, #tpu.memory_space<vmem>>[vector<16xi32>], vector<16xi32>,
      %gather3A_198 = tpu.vector_load_idx %arg6[%gather3A_196] : memref<256xf32, #tpu.memory_space<vmem>>[vector<16xi32>], vector<16xf32>,
      tpu.vector_store_idx %arg11[%gather3A_197], %gather3A_198 {add = true} : memref<32768xf32, #tpu.memory_space<vmem>>[vector<16xi32>], vector<16xf32>,
      %mul3A_199 = arith.constant 9 : i32
      %mul3A_200 = arith.muli %scan3A_135, %mul3A_199 : i32
      %add3A_201 = arith.constant 7 : i32
      %add3A_202 = arith.addi %mul3A_200, %add3A_201 : i32
      %add3A_203 = vector.broadcast %add3A_202 : i32 to vector<16xi32>
      %add3A_204 = arith.addi %mul3A_6, %add3A_203 : vector<16xi32>
      %gather3A_205 = tpu.vector_load_idx %arg8[%add3A_204] : memref<8928xi32, #tpu.memory_space<vmem>>[vector<16xi32>], vector<16xi32>,
      %gather3A_206 = tpu.vector_load_idx %arg10[%add3A_204] : memref<8928xi32, #tpu.memory_space<vmem>>[vector<16xi32>], vector<16xi32>,
      %gather3A_207 = tpu.vector_load_idx %arg6[%gather3A_205] : memref<256xf32, #tpu.memory_space<vmem>>[vector<16xi32>], vector<16xf32>,
      tpu.vector_store_idx %arg11[%gather3A_206], %gather3A_207 {add = true} : memref<32768xf32, #tpu.memory_space<vmem>>[vector<16xi32>], vector<16xf32>,
      %mul3A_208 = arith.constant 9 : i32
      %mul3A_209 = arith.muli %scan3A_135, %mul3A_208 : i32
      %add3A_210 = arith.constant 8 : i32
      %add3A_211 = arith.addi %mul3A_209, %add3A_210 : i32
      %add3A_212 = vector.broadcast %add3A_211 : i32 to vector<16xi32>
      %add3A_213 = arith.addi %mul3A_6, %add3A_212 : vector<16xi32>
      %gather3A_214 = tpu.vector_load_idx %arg8[%add3A_213] : memref<8928xi32, #tpu.memory_space<vmem>>[vector<16xi32>], vector<16xi32>,
      %gather3A_215 = tpu.vector_load_idx %arg10[%add3A_213] : memref<8928xi32, #tpu.memory_space<vmem>>[vector<16xi32>], vector<16xi32>,
      %gather3A_216 = tpu.vector_load_idx %arg6[%gather3A_214] : memref<256xf32, #tpu.memory_space<vmem>>[vector<16xi32>], vector<16xf32>,
      tpu.vector_store_idx %arg11[%gather3A_215], %gather3A_216 {add = true} : memref<32768xf32, #tpu.memory_space<vmem>>[vector<16xi32>], vector<16xf32>,
      %scan3A_217 = arith.constant 0 : i32
      scf.yield %scan3A_217 : i32
    }
    %scan3A_87 = arith.constant 62 : i32
    %dma_wait3A_88 = tpu.memref_slice %arg3[%add3A_76] : memref<2000000xi32, #tpu.memory_space<hbm>> -> memref<8928xi32, #tpu.memory_space<hbm>>
    %dma_wait3A_89 = tpu.memref_slice %arg3[%add3A_76] : memref<2000000xi32, #tpu.memory_space<hbm>> -> memref<8928xi32, #tpu.memory_space<hbm>>
    tpu.wait_dma2 semaphore(%arg12 : memref<!tpu.dma_semaphore, #tpu.memory_space<semaphore_mem>>) src(%dma_wait3A_89 : memref<8928xi32, #tpu.memory_space<hbm>>) dst(%arg7 : memref<8928xi32, #tpu.memory_space<vmem>>)
    %dma_wait3A_90 = tpu.memref_slice %arg4[%add3A_76] : memref<2000000xi32, #tpu.memory_space<hbm>> -> memref<8928xi32, #tpu.memory_space<hbm>>
    %dma_wait3A_91 = tpu.memref_slice %arg4[%add3A_76] : memref<2000000xi32, #tpu.memory_space<hbm>> -> memref<8928xi32, #tpu.memory_space<hbm>>
    tpu.wait_dma2 semaphore(%arg12 : memref<!tpu.dma_semaphore, #tpu.memory_space<semaphore_mem>>) src(%dma_wait3A_91 : memref<8928xi32, #tpu.memory_space<hbm>>) dst(%arg9 : memref<8928xi32, #tpu.memory_space<vmem>>)
    %add3A_92 = arith.constant 44640 : i32
    %add3A_93 = arith.addi %mul3A_2, %add3A_92 : i32
    %dma_start3A_94 = tpu.memref_slice %arg3[%add3A_93] : memref<2000000xi32, #tpu.memory_space<hbm>> -> memref<8928xi32, #tpu.memory_space<hbm>>
    %dma_start3A_95 = tpu.memref_slice %arg3[%add3A_93] : memref<2000000xi32, #tpu.memory_space<hbm>> -> memref<8928xi32, #tpu.memory_space<hbm>>
    tpu.enqueue_dma source(%dma_start3A_95 : memref<8928xi32, #tpu.memory_space<hbm>>) target(%arg8 : memref<8928xi32, #tpu.memory_space<vmem>>) target_semaphore(%arg13 : memref<!tpu.dma_semaphore, #tpu.memory_space<semaphore_mem>>)
    %dma_start3A_96 = tpu.memref_slice %arg4[%add3A_93] : memref<2000000xi32, #tpu.memory_space<hbm>> -> memref<8928xi32, #tpu.memory_space<hbm>>
    %dma_start3A_97 = tpu.memref_slice %arg4[%add3A_93] : memref<2000000xi32, #tpu.memory_space<hbm>> -> memref<8928xi32, #tpu.memory_space<hbm>>
    tpu.enqueue_dma source(%dma_start3A_97 : memref<8928xi32, #tpu.memory_space<hbm>>) target(%arg10 : memref<8928xi32, #tpu.memory_space<vmem>>) target_semaphore(%arg13 : memref<!tpu.dma_semaphore, #tpu.memory_space<semaphore_mem>>)
    %scan3A_98 = arith.constant 0 : i32
    %scan3A_99 = arith.constant 0 : i32
    %scan3A_100 = arith.constant 62 : i32
    %scan3A_101 = arith.addi %scan3A_99, %scan3A_100 : i32
    %scan3A_102 = arith.constant 1 : i32
    %scan3A_103 = scf.for %scan3A_135 = %scan3A_99 to %scan3A_101 step %scan3A_102 iter_args(%scan3A_136 = %scan3A_98) -> (i32)  : i32 {
      %mul3A_137 = arith.constant 9 : i32
      %mul3A_138 = arith.muli %scan3A_135, %mul3A_137 : i32
      %add3A_139 = arith.constant 0 : i32
      %add3A_140 = arith.addi %mul3A_138, %add3A_139 : i32
      %add3A_141 = vector.broadcast %add3A_140 : i32 to vector<16xi32>
      %add3A_142 = arith.addi %mul3A_6, %add3A_141 : vector<16xi32>
      %gather3A = tpu.vector_load_idx %arg7[%add3A_142] : memref<8928xi32, #tpu.memory_space<vmem>>[vector<16xi32>], vector<16xi32>,
      %gather3A_143 = tpu.vector_load_idx %arg9[%add3A_142] : memref<8928xi32, #tpu.memory_space<vmem>>[vector<16xi32>], vector<16xi32>,
      %gather3A_144 = tpu.vector_load_idx %arg6[%gather3A] : memref<256xf32, #tpu.memory_space<vmem>>[vector<16xi32>], vector<16xf32>,
      tpu.vector_store_idx %arg11[%gather3A_143], %gather3A_144 {add = true} : memref<32768xf32, #tpu.memory_space<vmem>>[vector<16xi32>], vector<16xf32>,
      %mul3A_145 = arith.constant 9 : i32
      %mul3A_146 = arith.muli %scan3A_135, %mul3A_145 : i32
      %add3A_147 = arith.constant 1 : i32
      %add3A_148 = arith.addi %mul3A_146, %add3A_147 : i32
      %add3A_149 = vector.broadcast %add3A_148 : i32 to vector<16xi32>
      %add3A_150 = arith.addi %mul3A_6, %add3A_149 : vector<16xi32>
      %gather3A_151 = tpu.vector_load_idx %arg7[%add3A_150] : memref<8928xi32, #tpu.memory_space<vmem>>[vector<16xi32>], vector<16xi32>,
      %gather3A_152 = tpu.vector_load_idx %arg9[%add3A_150] : memref<8928xi32, #tpu.memory_space<vmem>>[vector<16xi32>], vector<16xi32>,
      %gather3A_153 = tpu.vector_load_idx %arg6[%gather3A_151] : memref<256xf32, #tpu.memory_space<vmem>>[vector<16xi32>], vector<16xf32>,
      tpu.vector_store_idx %arg11[%gather3A_152], %gather3A_153 {add = true} : memref<32768xf32, #tpu.memory_space<vmem>>[vector<16xi32>], vector<16xf32>,
      %mul3A_154 = arith.constant 9 : i32
      %mul3A_155 = arith.muli %scan3A_135, %mul3A_154 : i32
      %add3A_156 = arith.constant 2 : i32
      %add3A_157 = arith.addi %mul3A_155, %add3A_156 : i32
      %add3A_158 = vector.broadcast %add3A_157 : i32 to vector<16xi32>
      %add3A_159 = arith.addi %mul3A_6, %add3A_158 : vector<16xi32>
      %gather3A_160 = tpu.vector_load_idx %arg7[%add3A_159] : memref<8928xi32, #tpu.memory_space<vmem>>[vector<16xi32>], vector<16xi32>,
      %gather3A_161 = tpu.vector_load_idx %arg9[%add3A_159] : memref<8928xi32, #tpu.memory_space<vmem>>[vector<16xi32>], vector<16xi32>,
      %gather3A_162 = tpu.vector_load_idx %arg6[%gather3A_160] : memref<256xf32, #tpu.memory_space<vmem>>[vector<16xi32>], vector<16xf32>,
      tpu.vector_store_idx %arg11[%gather3A_161], %gather3A_162 {add = true} : memref<32768xf32, #tpu.memory_space<vmem>>[vector<16xi32>], vector<16xf32>,
      %mul3A_163 = arith.constant 9 : i32
      %mul3A_164 = arith.muli %scan3A_135, %mul3A_163 : i32
      %add3A_165 = arith.constant 3 : i32
      %add3A_166 = arith.addi %mul3A_164, %add3A_165 : i32
      %add3A_167 = vector.broadcast %add3A_166 : i32 to vector<16xi32>
      %add3A_168 = arith.addi %mul3A_6, %add3A_167 : vector<16xi32>
      %gather3A_169 = tpu.vector_load_idx %arg7[%add3A_168] : memref<8928xi32, #tpu.memory_space<vmem>>[vector<16xi32>], vector<16xi32>,
      %gather3A_170 = tpu.vector_load_idx %arg9[%add3A_168] : memref<8928xi32, #tpu.memory_space<vmem>>[vector<16xi32>], vector<16xi32>,
      %gather3A_171 = tpu.vector_load_idx %arg6[%gather3A_169] : memref<256xf32, #tpu.memory_space<vmem>>[vector<16xi32>], vector<16xf32>,
      tpu.vector_store_idx %arg11[%gather3A_170], %gather3A_171 {add = true} : memref<32768xf32, #tpu.memory_space<vmem>>[vector<16xi32>], vector<16xf32>,
      %mul3A_172 = arith.constant 9 : i32
      %mul3A_173 = arith.muli %scan3A_135, %mul3A_172 : i32
      %add3A_174 = arith.constant 4 : i32
      %add3A_175 = arith.addi %mul3A_173, %add3A_174 : i32
      %add3A_176 = vector.broadcast %add3A_175 : i32 to vector<16xi32>
      %add3A_177 = arith.addi %mul3A_6, %add3A_176 : vector<16xi32>
      %gather3A_178 = tpu.vector_load_idx %arg7[%add3A_177] : memref<8928xi32, #tpu.memory_space<vmem>>[vector<16xi32>], vector<16xi32>,
      %gather3A_179 = tpu.vector_load_idx %arg9[%add3A_177] : memref<8928xi32, #tpu.memory_space<vmem>>[vector<16xi32>], vector<16xi32>,
      %gather3A_180 = tpu.vector_load_idx %arg6[%gather3A_178] : memref<256xf32, #tpu.memory_space<vmem>>[vector<16xi32>], vector<16xf32>,
      tpu.vector_store_idx %arg11[%gather3A_179], %gather3A_180 {add = true} : memref<32768xf32, #tpu.memory_space<vmem>>[vector<16xi32>], vector<16xf32>,
      %mul3A_181 = arith.constant 9 : i32
      %mul3A_182 = arith.muli %scan3A_135, %mul3A_181 : i32
      %add3A_183 = arith.constant 5 : i32
      %add3A_184 = arith.addi %mul3A_182, %add3A_183 : i32
      %add3A_185 = vector.broadcast %add3A_184 : i32 to vector<16xi32>
      %add3A_186 = arith.addi %mul3A_6, %add3A_185 : vector<16xi32>
      %gather3A_187 = tpu.vector_load_idx %arg7[%add3A_186] : memref<8928xi32, #tpu.memory_space<vmem>>[vector<16xi32>], vector<16xi32>,
      %gather3A_188 = tpu.vector_load_idx %arg9[%add3A_186] : memref<8928xi32, #tpu.memory_space<vmem>>[vector<16xi32>], vector<16xi32>,
      %gather3A_189 = tpu.vector_load_idx %arg6[%gather3A_187] : memref<256xf32, #tpu.memory_space<vmem>>[vector<16xi32>], vector<16xf32>,
      tpu.vector_store_idx %arg11[%gather3A_188], %gather3A_189 {add = true} : memref<32768xf32, #tpu.memory_space<vmem>>[vector<16xi32>], vector<16xf32>,
      %mul3A_190 = arith.constant 9 : i32
      %mul3A_191 = arith.muli %scan3A_135, %mul3A_190 : i32
      %add3A_192 = arith.constant 6 : i32
      %add3A_193 = arith.addi %mul3A_191, %add3A_192 : i32
      %add3A_194 = vector.broadcast %add3A_193 : i32 to vector<16xi32>
      %add3A_195 = arith.addi %mul3A_6, %add3A_194 : vector<16xi32>
      %gather3A_196 = tpu.vector_load_idx %arg7[%add3A_195] : memref<8928xi32, #tpu.memory_space<vmem>>[vector<16xi32>], vector<16xi32>,
      %gather3A_197 = tpu.vector_load_idx %arg9[%add3A_195] : memref<8928xi32, #tpu.memory_space<vmem>>[vector<16xi32>], vector<16xi32>,
      %gather3A_198 = tpu.vector_load_idx %arg6[%gather3A_196] : memref<256xf32, #tpu.memory_space<vmem>>[vector<16xi32>], vector<16xf32>,
      tpu.vector_store_idx %arg11[%gather3A_197], %gather3A_198 {add = true} : memref<32768xf32, #tpu.memory_space<vmem>>[vector<16xi32>], vector<16xf32>,
      %mul3A_199 = arith.constant 9 : i32
      %mul3A_200 = arith.muli %scan3A_135, %mul3A_199 : i32
      %add3A_201 = arith.constant 7 : i32
      %add3A_202 = arith.addi %mul3A_200, %add3A_201 : i32
      %add3A_203 = vector.broadcast %add3A_202 : i32 to vector<16xi32>
      %add3A_204 = arith.addi %mul3A_6, %add3A_203 : vector<16xi32>
      %gather3A_205 = tpu.vector_load_idx %arg7[%add3A_204] : memref<8928xi32, #tpu.memory_space<vmem>>[vector<16xi32>], vector<16xi32>,
      %gather3A_206 = tpu.vector_load_idx %arg9[%add3A_204] : memref<8928xi32, #tpu.memory_space<vmem>>[vector<16xi32>], vector<16xi32>,
      %gather3A_207 = tpu.vector_load_idx %arg6[%gather3A_205] : memref<256xf32, #tpu.memory_space<vmem>>[vector<16xi32>], vector<16xf32>,
      tpu.vector_store_idx %arg11[%gather3A_206], %gather3A_207 {add = true} : memref<32768xf32, #tpu.memory_space<vmem>>[vector<16xi32>], vector<16xf32>,
      %mul3A_208 = arith.constant 9 : i32
      %mul3A_209 = arith.muli %scan3A_135, %mul3A_208 : i32
      %add3A_210 = arith.constant 8 : i32
      %add3A_211 = arith.addi %mul3A_209, %add3A_210 : i32
      %add3A_212 = vector.broadcast %add3A_211 : i32 to vector<16xi32>
      %add3A_213 = arith.addi %mul3A_6, %add3A_212 : vector<16xi32>
      %gather3A_214 = tpu.vector_load_idx %arg7[%add3A_213] : memref<8928xi32, #tpu.memory_space<vmem>>[vector<16xi32>], vector<16xi32>,
      %gather3A_215 = tpu.vector_load_idx %arg9[%add3A_213] : memref<8928xi32, #tpu.memory_space<vmem>>[vector<16xi32>], vector<16xi32>,
      %gather3A_216 = tpu.vector_load_idx %arg6[%gather3A_214] : memref<256xf32, #tpu.memory_space<vmem>>[vector<16xi32>], vector<16xf32>,
      tpu.vector_store_idx %arg11[%gather3A_215], %gather3A_216 {add = true} : memref<32768xf32, #tpu.memory_space<vmem>>[vector<16xi32>], vector<16xf32>,
      %scan3A_217 = arith.constant 0 : i32
      scf.yield %scan3A_217 : i32
    }
    %scan3A_104 = arith.constant 62 : i32
    %dma_wait3A_105 = tpu.memref_slice %arg3[%add3A_93] : memref<2000000xi32, #tpu.memory_space<hbm>> -> memref<8928xi32, #tpu.memory_space<hbm>>
    %dma_wait3A_106 = tpu.memref_slice %arg3[%add3A_93] : memref<2000000xi32, #tpu.memory_space<hbm>> -> memref<8928xi32, #tpu.memory_space<hbm>>
    tpu.wait_dma2 semaphore(%arg13 : memref<!tpu.dma_semaphore, #tpu.memory_space<semaphore_mem>>) src(%dma_wait3A_106 : memref<8928xi32, #tpu.memory_space<hbm>>) dst(%arg8 : memref<8928xi32, #tpu.memory_space<vmem>>)
    %dma_wait3A_107 = tpu.memref_slice %arg4[%add3A_93] : memref<2000000xi32, #tpu.memory_space<hbm>> -> memref<8928xi32, #tpu.memory_space<hbm>>
    %dma_wait3A_108 = tpu.memref_slice %arg4[%add3A_93] : memref<2000000xi32, #tpu.memory_space<hbm>> -> memref<8928xi32, #tpu.memory_space<hbm>>
    tpu.wait_dma2 semaphore(%arg13 : memref<!tpu.dma_semaphore, #tpu.memory_space<semaphore_mem>>) src(%dma_wait3A_108 : memref<8928xi32, #tpu.memory_space<hbm>>) dst(%arg10 : memref<8928xi32, #tpu.memory_space<vmem>>)
    %add3A_109 = arith.constant 53568 : i32
    %add3A_110 = arith.addi %mul3A_2, %add3A_109 : i32
    %dma_start3A_111 = tpu.memref_slice %arg3[%add3A_110] : memref<2000000xi32, #tpu.memory_space<hbm>> -> memref<8928xi32, #tpu.memory_space<hbm>>
    %dma_start3A_112 = tpu.memref_slice %arg3[%add3A_110] : memref<2000000xi32, #tpu.memory_space<hbm>> -> memref<8928xi32, #tpu.memory_space<hbm>>
    tpu.enqueue_dma source(%dma_start3A_112 : memref<8928xi32, #tpu.memory_space<hbm>>) target(%arg7 : memref<8928xi32, #tpu.memory_space<vmem>>) target_semaphore(%arg12 : memref<!tpu.dma_semaphore, #tpu.memory_space<semaphore_mem>>)
    %dma_start3A_113 = tpu.memref_slice %arg4[%add3A_110] : memref<2000000xi32, #tpu.memory_space<hbm>> -> memref<8928xi32, #tpu.memory_space<hbm>>
    %dma_start3A_114 = tpu.memref_slice %arg4[%add3A_110] : memref<2000000xi32, #tpu.memory_space<hbm>> -> memref<8928xi32, #tpu.memory_space<hbm>>
    tpu.enqueue_dma source(%dma_start3A_114 : memref<8928xi32, #tpu.memory_space<hbm>>) target(%arg9 : memref<8928xi32, #tpu.memory_space<vmem>>) target_semaphore(%arg12 : memref<!tpu.dma_semaphore, #tpu.memory_space<semaphore_mem>>)
    %scan3A_115 = arith.constant 0 : i32
    %scan3A_116 = arith.constant 0 : i32
    %scan3A_117 = arith.constant 62 : i32
    %scan3A_118 = arith.addi %scan3A_116, %scan3A_117 : i32
    %scan3A_119 = arith.constant 1 : i32
    %scan3A_120 = scf.for %scan3A_135 = %scan3A_116 to %scan3A_118 step %scan3A_119 iter_args(%scan3A_136 = %scan3A_115) -> (i32)  : i32 {
      %mul3A_137 = arith.constant 9 : i32
      %mul3A_138 = arith.muli %scan3A_135, %mul3A_137 : i32
      %add3A_139 = arith.constant 0 : i32
      %add3A_140 = arith.addi %mul3A_138, %add3A_139 : i32
      %add3A_141 = vector.broadcast %add3A_140 : i32 to vector<16xi32>
      %add3A_142 = arith.addi %mul3A_6, %add3A_141 : vector<16xi32>
      %gather3A = tpu.vector_load_idx %arg8[%add3A_142] : memref<8928xi32, #tpu.memory_space<vmem>>[vector<16xi32>], vector<16xi32>,
      %gather3A_143 = tpu.vector_load_idx %arg10[%add3A_142] : memref<8928xi32, #tpu.memory_space<vmem>>[vector<16xi32>], vector<16xi32>,
      %gather3A_144 = tpu.vector_load_idx %arg6[%gather3A] : memref<256xf32, #tpu.memory_space<vmem>>[vector<16xi32>], vector<16xf32>,
      tpu.vector_store_idx %arg11[%gather3A_143], %gather3A_144 {add = true} : memref<32768xf32, #tpu.memory_space<vmem>>[vector<16xi32>], vector<16xf32>,
      %mul3A_145 = arith.constant 9 : i32
      %mul3A_146 = arith.muli %scan3A_135, %mul3A_145 : i32
      %add3A_147 = arith.constant 1 : i32
      %add3A_148 = arith.addi %mul3A_146, %add3A_147 : i32
      %add3A_149 = vector.broadcast %add3A_148 : i32 to vector<16xi32>
      %add3A_150 = arith.addi %mul3A_6, %add3A_149 : vector<16xi32>
      %gather3A_151 = tpu.vector_load_idx %arg8[%add3A_150] : memref<8928xi32, #tpu.memory_space<vmem>>[vector<16xi32>], vector<16xi32>,
      %gather3A_152 = tpu.vector_load_idx %arg10[%add3A_150] : memref<8928xi32, #tpu.memory_space<vmem>>[vector<16xi32>], vector<16xi32>,
      %gather3A_153 = tpu.vector_load_idx %arg6[%gather3A_151] : memref<256xf32, #tpu.memory_space<vmem>>[vector<16xi32>], vector<16xf32>,
      tpu.vector_store_idx %arg11[%gather3A_152], %gather3A_153 {add = true} : memref<32768xf32, #tpu.memory_space<vmem>>[vector<16xi32>], vector<16xf32>,
      %mul3A_154 = arith.constant 9 : i32
      %mul3A_155 = arith.muli %scan3A_135, %mul3A_154 : i32
      %add3A_156 = arith.constant 2 : i32
      %add3A_157 = arith.addi %mul3A_155, %add3A_156 : i32
      %add3A_158 = vector.broadcast %add3A_157 : i32 to vector<16xi32>
      %add3A_159 = arith.addi %mul3A_6, %add3A_158 : vector<16xi32>
      %gather3A_160 = tpu.vector_load_idx %arg8[%add3A_159] : memref<8928xi32, #tpu.memory_space<vmem>>[vector<16xi32>], vector<16xi32>,
      %gather3A_161 = tpu.vector_load_idx %arg10[%add3A_159] : memref<8928xi32, #tpu.memory_space<vmem>>[vector<16xi32>], vector<16xi32>,
      %gather3A_162 = tpu.vector_load_idx %arg6[%gather3A_160] : memref<256xf32, #tpu.memory_space<vmem>>[vector<16xi32>], vector<16xf32>,
      tpu.vector_store_idx %arg11[%gather3A_161], %gather3A_162 {add = true} : memref<32768xf32, #tpu.memory_space<vmem>>[vector<16xi32>], vector<16xf32>,
      %mul3A_163 = arith.constant 9 : i32
      %mul3A_164 = arith.muli %scan3A_135, %mul3A_163 : i32
      %add3A_165 = arith.constant 3 : i32
      %add3A_166 = arith.addi %mul3A_164, %add3A_165 : i32
      %add3A_167 = vector.broadcast %add3A_166 : i32 to vector<16xi32>
      %add3A_168 = arith.addi %mul3A_6, %add3A_167 : vector<16xi32>
      %gather3A_169 = tpu.vector_load_idx %arg8[%add3A_168] : memref<8928xi32, #tpu.memory_space<vmem>>[vector<16xi32>], vector<16xi32>,
      %gather3A_170 = tpu.vector_load_idx %arg10[%add3A_168] : memref<8928xi32, #tpu.memory_space<vmem>>[vector<16xi32>], vector<16xi32>,
      %gather3A_171 = tpu.vector_load_idx %arg6[%gather3A_169] : memref<256xf32, #tpu.memory_space<vmem>>[vector<16xi32>], vector<16xf32>,
      tpu.vector_store_idx %arg11[%gather3A_170], %gather3A_171 {add = true} : memref<32768xf32, #tpu.memory_space<vmem>>[vector<16xi32>], vector<16xf32>,
      %mul3A_172 = arith.constant 9 : i32
      %mul3A_173 = arith.muli %scan3A_135, %mul3A_172 : i32
      %add3A_174 = arith.constant 4 : i32
      %add3A_175 = arith.addi %mul3A_173, %add3A_174 : i32
      %add3A_176 = vector.broadcast %add3A_175 : i32 to vector<16xi32>
      %add3A_177 = arith.addi %mul3A_6, %add3A_176 : vector<16xi32>
      %gather3A_178 = tpu.vector_load_idx %arg8[%add3A_177] : memref<8928xi32, #tpu.memory_space<vmem>>[vector<16xi32>], vector<16xi32>,
      %gather3A_179 = tpu.vector_load_idx %arg10[%add3A_177] : memref<8928xi32, #tpu.memory_space<vmem>>[vector<16xi32>], vector<16xi32>,
      %gather3A_180 = tpu.vector_load_idx %arg6[%gather3A_178] : memref<256xf32, #tpu.memory_space<vmem>>[vector<16xi32>], vector<16xf32>,
      tpu.vector_store_idx %arg11[%gather3A_179], %gather3A_180 {add = true} : memref<32768xf32, #tpu.memory_space<vmem>>[vector<16xi32>], vector<16xf32>,
      %mul3A_181 = arith.constant 9 : i32
      %mul3A_182 = arith.muli %scan3A_135, %mul3A_181 : i32
      %add3A_183 = arith.constant 5 : i32
      %add3A_184 = arith.addi %mul3A_182, %add3A_183 : i32
      %add3A_185 = vector.broadcast %add3A_184 : i32 to vector<16xi32>
      %add3A_186 = arith.addi %mul3A_6, %add3A_185 : vector<16xi32>
      %gather3A_187 = tpu.vector_load_idx %arg8[%add3A_186] : memref<8928xi32, #tpu.memory_space<vmem>>[vector<16xi32>], vector<16xi32>,
      %gather3A_188 = tpu.vector_load_idx %arg10[%add3A_186] : memref<8928xi32, #tpu.memory_space<vmem>>[vector<16xi32>], vector<16xi32>,
      %gather3A_189 = tpu.vector_load_idx %arg6[%gather3A_187] : memref<256xf32, #tpu.memory_space<vmem>>[vector<16xi32>], vector<16xf32>,
      tpu.vector_store_idx %arg11[%gather3A_188], %gather3A_189 {add = true} : memref<32768xf32, #tpu.memory_space<vmem>>[vector<16xi32>], vector<16xf32>,
      %mul3A_190 = arith.constant 9 : i32
      %mul3A_191 = arith.muli %scan3A_135, %mul3A_190 : i32
      %add3A_192 = arith.constant 6 : i32
      %add3A_193 = arith.addi %mul3A_191, %add3A_192 : i32
      %add3A_194 = vector.broadcast %add3A_193 : i32 to vector<16xi32>
      %add3A_195 = arith.addi %mul3A_6, %add3A_194 : vector<16xi32>
      %gather3A_196 = tpu.vector_load_idx %arg8[%add3A_195] : memref<8928xi32, #tpu.memory_space<vmem>>[vector<16xi32>], vector<16xi32>,
      %gather3A_197 = tpu.vector_load_idx %arg10[%add3A_195] : memref<8928xi32, #tpu.memory_space<vmem>>[vector<16xi32>], vector<16xi32>,
      %gather3A_198 = tpu.vector_load_idx %arg6[%gather3A_196] : memref<256xf32, #tpu.memory_space<vmem>>[vector<16xi32>], vector<16xf32>,
      tpu.vector_store_idx %arg11[%gather3A_197], %gather3A_198 {add = true} : memref<32768xf32, #tpu.memory_space<vmem>>[vector<16xi32>], vector<16xf32>,
      %mul3A_199 = arith.constant 9 : i32
      %mul3A_200 = arith.muli %scan3A_135, %mul3A_199 : i32
      %add3A_201 = arith.constant 7 : i32
      %add3A_202 = arith.addi %mul3A_200, %add3A_201 : i32
      %add3A_203 = vector.broadcast %add3A_202 : i32 to vector<16xi32>
      %add3A_204 = arith.addi %mul3A_6, %add3A_203 : vector<16xi32>
      %gather3A_205 = tpu.vector_load_idx %arg8[%add3A_204] : memref<8928xi32, #tpu.memory_space<vmem>>[vector<16xi32>], vector<16xi32>,
      %gather3A_206 = tpu.vector_load_idx %arg10[%add3A_204] : memref<8928xi32, #tpu.memory_space<vmem>>[vector<16xi32>], vector<16xi32>,
      %gather3A_207 = tpu.vector_load_idx %arg6[%gather3A_205] : memref<256xf32, #tpu.memory_space<vmem>>[vector<16xi32>], vector<16xf32>,
      tpu.vector_store_idx %arg11[%gather3A_206], %gather3A_207 {add = true} : memref<32768xf32, #tpu.memory_space<vmem>>[vector<16xi32>], vector<16xf32>,
      %mul3A_208 = arith.constant 9 : i32
      %mul3A_209 = arith.muli %scan3A_135, %mul3A_208 : i32
      %add3A_210 = arith.constant 8 : i32
      %add3A_211 = arith.addi %mul3A_209, %add3A_210 : i32
      %add3A_212 = vector.broadcast %add3A_211 : i32 to vector<16xi32>
      %add3A_213 = arith.addi %mul3A_6, %add3A_212 : vector<16xi32>
      %gather3A_214 = tpu.vector_load_idx %arg8[%add3A_213] : memref<8928xi32, #tpu.memory_space<vmem>>[vector<16xi32>], vector<16xi32>,
      %gather3A_215 = tpu.vector_load_idx %arg10[%add3A_213] : memref<8928xi32, #tpu.memory_space<vmem>>[vector<16xi32>], vector<16xi32>,
      %gather3A_216 = tpu.vector_load_idx %arg6[%gather3A_214] : memref<256xf32, #tpu.memory_space<vmem>>[vector<16xi32>], vector<16xf32>,
      tpu.vector_store_idx %arg11[%gather3A_215], %gather3A_216 {add = true} : memref<32768xf32, #tpu.memory_space<vmem>>[vector<16xi32>], vector<16xf32>,
      %scan3A_217 = arith.constant 0 : i32
      scf.yield %scan3A_217 : i32
    }
    %scan3A_121 = arith.constant 62 : i32
    %dma_wait3A_122 = tpu.memref_slice %arg3[%add3A_110] : memref<2000000xi32, #tpu.memory_space<hbm>> -> memref<8928xi32, #tpu.memory_space<hbm>>
    %dma_wait3A_123 = tpu.memref_slice %arg3[%add3A_110] : memref<2000000xi32, #tpu.memory_space<hbm>> -> memref<8928xi32, #tpu.memory_space<hbm>>
    tpu.wait_dma2 semaphore(%arg12 : memref<!tpu.dma_semaphore, #tpu.memory_space<semaphore_mem>>) src(%dma_wait3A_123 : memref<8928xi32, #tpu.memory_space<hbm>>) dst(%arg7 : memref<8928xi32, #tpu.memory_space<vmem>>)
    %dma_wait3A_124 = tpu.memref_slice %arg4[%add3A_110] : memref<2000000xi32, #tpu.memory_space<hbm>> -> memref<8928xi32, #tpu.memory_space<hbm>>
    %dma_wait3A_125 = tpu.memref_slice %arg4[%add3A_110] : memref<2000000xi32, #tpu.memory_space<hbm>> -> memref<8928xi32, #tpu.memory_space<hbm>>
    tpu.wait_dma2 semaphore(%arg12 : memref<!tpu.dma_semaphore, #tpu.memory_space<semaphore_mem>>) src(%dma_wait3A_125 : memref<8928xi32, #tpu.memory_space<hbm>>) dst(%arg9 : memref<8928xi32, #tpu.memory_space<vmem>>)
    %scan3A_126 = arith.constant 0 : i32
    %scan3A_127 = arith.constant 0 : i32
    %scan3A_128 = arith.constant 62 : i32
    %scan3A_129 = arith.addi %scan3A_127, %scan3A_128 : i32
    %scan3A_130 = arith.constant 1 : i32
    %scan3A_131 = scf.for %scan3A_135 = %scan3A_127 to %scan3A_129 step %scan3A_130 iter_args(%scan3A_136 = %scan3A_126) -> (i32)  : i32 {
      %mul3A_137 = arith.constant 9 : i32
      %mul3A_138 = arith.muli %scan3A_135, %mul3A_137 : i32
      %add3A_139 = arith.constant 0 : i32
      %add3A_140 = arith.addi %mul3A_138, %add3A_139 : i32
      %add3A_141 = vector.broadcast %add3A_140 : i32 to vector<16xi32>
      %add3A_142 = arith.addi %mul3A_6, %add3A_141 : vector<16xi32>
      %gather3A = tpu.vector_load_idx %arg7[%add3A_142] : memref<8928xi32, #tpu.memory_space<vmem>>[vector<16xi32>], vector<16xi32>,
      %gather3A_143 = tpu.vector_load_idx %arg9[%add3A_142] : memref<8928xi32, #tpu.memory_space<vmem>>[vector<16xi32>], vector<16xi32>,
      %gather3A_144 = tpu.vector_load_idx %arg6[%gather3A] : memref<256xf32, #tpu.memory_space<vmem>>[vector<16xi32>], vector<16xf32>,
      tpu.vector_store_idx %arg11[%gather3A_143], %gather3A_144 {add = true} : memref<32768xf32, #tpu.memory_space<vmem>>[vector<16xi32>], vector<16xf32>,
      %mul3A_145 = arith.constant 9 : i32
      %mul3A_146 = arith.muli %scan3A_135, %mul3A_145 : i32
      %add3A_147 = arith.constant 1 : i32
      %add3A_148 = arith.addi %mul3A_146, %add3A_147 : i32
      %add3A_149 = vector.broadcast %add3A_148 : i32 to vector<16xi32>
      %add3A_150 = arith.addi %mul3A_6, %add3A_149 : vector<16xi32>
      %gather3A_151 = tpu.vector_load_idx %arg7[%add3A_150] : memref<8928xi32, #tpu.memory_space<vmem>>[vector<16xi32>], vector<16xi32>,
      %gather3A_152 = tpu.vector_load_idx %arg9[%add3A_150] : memref<8928xi32, #tpu.memory_space<vmem>>[vector<16xi32>], vector<16xi32>,
      %gather3A_153 = tpu.vector_load_idx %arg6[%gather3A_151] : memref<256xf32, #tpu.memory_space<vmem>>[vector<16xi32>], vector<16xf32>,
      tpu.vector_store_idx %arg11[%gather3A_152], %gather3A_153 {add = true} : memref<32768xf32, #tpu.memory_space<vmem>>[vector<16xi32>], vector<16xf32>,
      %mul3A_154 = arith.constant 9 : i32
      %mul3A_155 = arith.muli %scan3A_135, %mul3A_154 : i32
      %add3A_156 = arith.constant 2 : i32
      %add3A_157 = arith.addi %mul3A_155, %add3A_156 : i32
      %add3A_158 = vector.broadcast %add3A_157 : i32 to vector<16xi32>
      %add3A_159 = arith.addi %mul3A_6, %add3A_158 : vector<16xi32>
      %gather3A_160 = tpu.vector_load_idx %arg7[%add3A_159] : memref<8928xi32, #tpu.memory_space<vmem>>[vector<16xi32>], vector<16xi32>,
      %gather3A_161 = tpu.vector_load_idx %arg9[%add3A_159] : memref<8928xi32, #tpu.memory_space<vmem>>[vector<16xi32>], vector<16xi32>,
      %gather3A_162 = tpu.vector_load_idx %arg6[%gather3A_160] : memref<256xf32, #tpu.memory_space<vmem>>[vector<16xi32>], vector<16xf32>,
      tpu.vector_store_idx %arg11[%gather3A_161], %gather3A_162 {add = true} : memref<32768xf32, #tpu.memory_space<vmem>>[vector<16xi32>], vector<16xf32>,
      %mul3A_163 = arith.constant 9 : i32
      %mul3A_164 = arith.muli %scan3A_135, %mul3A_163 : i32
      %add3A_165 = arith.constant 3 : i32
      %add3A_166 = arith.addi %mul3A_164, %add3A_165 : i32
      %add3A_167 = vector.broadcast %add3A_166 : i32 to vector<16xi32>
      %add3A_168 = arith.addi %mul3A_6, %add3A_167 : vector<16xi32>
      %gather3A_169 = tpu.vector_load_idx %arg7[%add3A_168] : memref<8928xi32, #tpu.memory_space<vmem>>[vector<16xi32>], vector<16xi32>,
      %gather3A_170 = tpu.vector_load_idx %arg9[%add3A_168] : memref<8928xi32, #tpu.memory_space<vmem>>[vector<16xi32>], vector<16xi32>,
      %gather3A_171 = tpu.vector_load_idx %arg6[%gather3A_169] : memref<256xf32, #tpu.memory_space<vmem>>[vector<16xi32>], vector<16xf32>,
      tpu.vector_store_idx %arg11[%gather3A_170], %gather3A_171 {add = true} : memref<32768xf32, #tpu.memory_space<vmem>>[vector<16xi32>], vector<16xf32>,
      %mul3A_172 = arith.constant 9 : i32
      %mul3A_173 = arith.muli %scan3A_135, %mul3A_172 : i32
      %add3A_174 = arith.constant 4 : i32
      %add3A_175 = arith.addi %mul3A_173, %add3A_174 : i32
      %add3A_176 = vector.broadcast %add3A_175 : i32 to vector<16xi32>
      %add3A_177 = arith.addi %mul3A_6, %add3A_176 : vector<16xi32>
      %gather3A_178 = tpu.vector_load_idx %arg7[%add3A_177] : memref<8928xi32, #tpu.memory_space<vmem>>[vector<16xi32>], vector<16xi32>,
      %gather3A_179 = tpu.vector_load_idx %arg9[%add3A_177] : memref<8928xi32, #tpu.memory_space<vmem>>[vector<16xi32>], vector<16xi32>,
      %gather3A_180 = tpu.vector_load_idx %arg6[%gather3A_178] : memref<256xf32, #tpu.memory_space<vmem>>[vector<16xi32>], vector<16xf32>,
      tpu.vector_store_idx %arg11[%gather3A_179], %gather3A_180 {add = true} : memref<32768xf32, #tpu.memory_space<vmem>>[vector<16xi32>], vector<16xf32>,
      %mul3A_181 = arith.constant 9 : i32
      %mul3A_182 = arith.muli %scan3A_135, %mul3A_181 : i32
      %add3A_183 = arith.constant 5 : i32
      %add3A_184 = arith.addi %mul3A_182, %add3A_183 : i32
      %add3A_185 = vector.broadcast %add3A_184 : i32 to vector<16xi32>
      %add3A_186 = arith.addi %mul3A_6, %add3A_185 : vector<16xi32>
      %gather3A_187 = tpu.vector_load_idx %arg7[%add3A_186] : memref<8928xi32, #tpu.memory_space<vmem>>[vector<16xi32>], vector<16xi32>,
      %gather3A_188 = tpu.vector_load_idx %arg9[%add3A_186] : memref<8928xi32, #tpu.memory_space<vmem>>[vector<16xi32>], vector<16xi32>,
      %gather3A_189 = tpu.vector_load_idx %arg6[%gather3A_187] : memref<256xf32, #tpu.memory_space<vmem>>[vector<16xi32>], vector<16xf32>,
      tpu.vector_store_idx %arg11[%gather3A_188], %gather3A_189 {add = true} : memref<32768xf32, #tpu.memory_space<vmem>>[vector<16xi32>], vector<16xf32>,
      %mul3A_190 = arith.constant 9 : i32
      %mul3A_191 = arith.muli %scan3A_135, %mul3A_190 : i32
      %add3A_192 = arith.constant 6 : i32
      %add3A_193 = arith.addi %mul3A_191, %add3A_192 : i32
      %add3A_194 = vector.broadcast %add3A_193 : i32 to vector<16xi32>
      %add3A_195 = arith.addi %mul3A_6, %add3A_194 : vector<16xi32>
      %gather3A_196 = tpu.vector_load_idx %arg7[%add3A_195] : memref<8928xi32, #tpu.memory_space<vmem>>[vector<16xi32>], vector<16xi32>,
      %gather3A_197 = tpu.vector_load_idx %arg9[%add3A_195] : memref<8928xi32, #tpu.memory_space<vmem>>[vector<16xi32>], vector<16xi32>,
      %gather3A_198 = tpu.vector_load_idx %arg6[%gather3A_196] : memref<256xf32, #tpu.memory_space<vmem>>[vector<16xi32>], vector<16xf32>,
      tpu.vector_store_idx %arg11[%gather3A_197], %gather3A_198 {add = true} : memref<32768xf32, #tpu.memory_space<vmem>>[vector<16xi32>], vector<16xf32>,
      %mul3A_199 = arith.constant 9 : i32
      %mul3A_200 = arith.muli %scan3A_135, %mul3A_199 : i32
      %add3A_201 = arith.constant 7 : i32
      %add3A_202 = arith.addi %mul3A_200, %add3A_201 : i32
      %add3A_203 = vector.broadcast %add3A_202 : i32 to vector<16xi32>
      %add3A_204 = arith.addi %mul3A_6, %add3A_203 : vector<16xi32>
      %gather3A_205 = tpu.vector_load_idx %arg7[%add3A_204] : memref<8928xi32, #tpu.memory_space<vmem>>[vector<16xi32>], vector<16xi32>,
      %gather3A_206 = tpu.vector_load_idx %arg9[%add3A_204] : memref<8928xi32, #tpu.memory_space<vmem>>[vector<16xi32>], vector<16xi32>,
      %gather3A_207 = tpu.vector_load_idx %arg6[%gather3A_205] : memref<256xf32, #tpu.memory_space<vmem>>[vector<16xi32>], vector<16xf32>,
      tpu.vector_store_idx %arg11[%gather3A_206], %gather3A_207 {add = true} : memref<32768xf32, #tpu.memory_space<vmem>>[vector<16xi32>], vector<16xf32>,
      %mul3A_208 = arith.constant 9 : i32
      %mul3A_209 = arith.muli %scan3A_135, %mul3A_208 : i32
      %add3A_210 = arith.constant 8 : i32
      %add3A_211 = arith.addi %mul3A_209, %add3A_210 : i32
      %add3A_212 = vector.broadcast %add3A_211 : i32 to vector<16xi32>
      %add3A_213 = arith.addi %mul3A_6, %add3A_212 : vector<16xi32>
      %gather3A_214 = tpu.vector_load_idx %arg7[%add3A_213] : memref<8928xi32, #tpu.memory_space<vmem>>[vector<16xi32>], vector<16xi32>,
      %gather3A_215 = tpu.vector_load_idx %arg9[%add3A_213] : memref<8928xi32, #tpu.memory_space<vmem>>[vector<16xi32>], vector<16xi32>,
      %gather3A_216 = tpu.vector_load_idx %arg6[%gather3A_214] : memref<256xf32, #tpu.memory_space<vmem>>[vector<16xi32>], vector<16xf32>,
      tpu.vector_store_idx %arg11[%gather3A_215], %gather3A_216 {add = true} : memref<32768xf32, #tpu.memory_space<vmem>>[vector<16xi32>], vector<16xf32>,
      %scan3A_217 = arith.constant 0 : i32
      scf.yield %scan3A_217 : i32
    }
    %scan3A_132 = arith.constant 62 : i32
    %eq3A = arith.constant 31 : i32
    %eq3A_133 = arith.cmpi eq, %add3A, %eq3A : i32
    %convert_element_type3A = arith.extui %eq3A_133 : i1 to i32
    %cond3A = arith.constant 0 : i32
    %cond3A_134 = arith.cmpi ne, %convert_element_type3A, %cond3A : i32
    scf.if %cond3A_134 {
      "tpu.region"() ({
        %run_scoped3A = tpu.sem_alloc : memref<!tpu.dma_semaphore, #tpu.memory_space<semaphore_mem>>
        %dma_start3A_142 = arith.constant 0 : i32
        %dma_start3A_143 = tpu.memref_slice %arg7[%dma_start3A_142] : memref<8928xi32, #tpu.memory_space<vmem>> -> memref<128xi32, #tpu.memory_space<vmem>>
        %dma_start3A_144 = arith.constant 1999872 : i32
        %dma_start3A_145 = tpu.memref_slice %arg3[%dma_start3A_144] : memref<2000000xi32, #tpu.memory_space<hbm>> -> memref<128xi32, #tpu.memory_space<hbm>>
        %dma_start3A_146 = arith.constant 0 : i32
        %dma_start3A_147 = tpu.memref_slice %arg7[%dma_start3A_146] : memref<8928xi32, #tpu.memory_space<vmem>> -> memref<128xi32, #tpu.memory_space<vmem>>
        %dma_start3A_148 = arith.constant 1999872 : i32
        %dma_start3A_149 = tpu.memref_slice %arg3[%dma_start3A_148] : memref<2000000xi32, #tpu.memory_space<hbm>> -> memref<128xi32, #tpu.memory_space<hbm>>
        tpu.enqueue_dma source(%dma_start3A_149 : memref<128xi32, #tpu.memory_space<hbm>>) target(%dma_start3A_147 : memref<128xi32, #tpu.memory_space<vmem>>) target_semaphore(%run_scoped3A : memref<!tpu.dma_semaphore, #tpu.memory_space<semaphore_mem>>)
        %dma_wait3A_150 = arith.constant 0 : i32
        %dma_wait3A_151 = tpu.memref_slice %arg7[%dma_wait3A_150] : memref<8928xi32, #tpu.memory_space<vmem>> -> memref<128xi32, #tpu.memory_space<vmem>>
        %dma_wait3A_152 = arith.constant 1999872 : i32
        %dma_wait3A_153 = tpu.memref_slice %arg3[%dma_wait3A_152] : memref<2000000xi32, #tpu.memory_space<hbm>> -> memref<128xi32, #tpu.memory_space<hbm>>
        %dma_wait3A_154 = arith.constant 0 : i32
        %dma_wait3A_155 = tpu.memref_slice %arg7[%dma_wait3A_154] : memref<8928xi32, #tpu.memory_space<vmem>> -> memref<128xi32, #tpu.memory_space<vmem>>
        %dma_wait3A_156 = arith.constant 1999872 : i32
        %dma_wait3A_157 = tpu.memref_slice %arg3[%dma_wait3A_156] : memref<2000000xi32, #tpu.memory_space<hbm>> -> memref<128xi32, #tpu.memory_space<hbm>>
        tpu.wait_dma2 semaphore(%run_scoped3A : memref<!tpu.dma_semaphore, #tpu.memory_space<semaphore_mem>>) src(%dma_wait3A_157 : memref<128xi32, #tpu.memory_space<hbm>>) dst(%dma_wait3A_155 : memref<128xi32, #tpu.memory_space<vmem>>)
        tpu.yield
      }) : () -> ()
      "tpu.region"() ({
        %run_scoped3A = tpu.sem_alloc : memref<!tpu.dma_semaphore, #tpu.memory_space<semaphore_mem>>
        %dma_start3A_142 = arith.constant 0 : i32
        %dma_start3A_143 = tpu.memref_slice %arg9[%dma_start3A_142] : memref<8928xi32, #tpu.memory_space<vmem>> -> memref<128xi32, #tpu.memory_space<vmem>>
        %dma_start3A_144 = arith.constant 1999872 : i32
        %dma_start3A_145 = tpu.memref_slice %arg4[%dma_start3A_144] : memref<2000000xi32, #tpu.memory_space<hbm>> -> memref<128xi32, #tpu.memory_space<hbm>>
        %dma_start3A_146 = arith.constant 0 : i32
        %dma_start3A_147 = tpu.memref_slice %arg9[%dma_start3A_146] : memref<8928xi32, #tpu.memory_space<vmem>> -> memref<128xi32, #tpu.memory_space<vmem>>
        %dma_start3A_148 = arith.constant 1999872 : i32
        %dma_start3A_149 = tpu.memref_slice %arg4[%dma_start3A_148] : memref<2000000xi32, #tpu.memory_space<hbm>> -> memref<128xi32, #tpu.memory_space<hbm>>
        tpu.enqueue_dma source(%dma_start3A_149 : memref<128xi32, #tpu.memory_space<hbm>>) target(%dma_start3A_147 : memref<128xi32, #tpu.memory_space<vmem>>) target_semaphore(%run_scoped3A : memref<!tpu.dma_semaphore, #tpu.memory_space<semaphore_mem>>)
        %dma_wait3A_150 = arith.constant 0 : i32
        %dma_wait3A_151 = tpu.memref_slice %arg9[%dma_wait3A_150] : memref<8928xi32, #tpu.memory_space<vmem>> -> memref<128xi32, #tpu.memory_space<vmem>>
        %dma_wait3A_152 = arith.constant 1999872 : i32
        %dma_wait3A_153 = tpu.memref_slice %arg4[%dma_wait3A_152] : memref<2000000xi32, #tpu.memory_space<hbm>> -> memref<128xi32, #tpu.memory_space<hbm>>
        %dma_wait3A_154 = arith.constant 0 : i32
        %dma_wait3A_155 = tpu.memref_slice %arg9[%dma_wait3A_154] : memref<8928xi32, #tpu.memory_space<vmem>> -> memref<128xi32, #tpu.memory_space<vmem>>
        %dma_wait3A_156 = arith.constant 1999872 : i32
        %dma_wait3A_157 = tpu.memref_slice %arg4[%dma_wait3A_156] : memref<2000000xi32, #tpu.memory_space<hbm>> -> memref<128xi32, #tpu.memory_space<hbm>>
        tpu.wait_dma2 semaphore(%run_scoped3A : memref<!tpu.dma_semaphore, #tpu.memory_space<semaphore_mem>>) src(%dma_wait3A_157 : memref<128xi32, #tpu.memory_space<hbm>>) dst(%dma_wait3A_155 : memref<128xi32, #tpu.memory_space<vmem>>)
        tpu.yield
      }) : () -> ()
      %scan3A_135 = arith.constant 0 : i32
      %scan3A_136 = arith.constant 0 : i32
      %scan3A_137 = arith.constant 8 : i32
      %scan3A_138 = arith.addi %scan3A_136, %scan3A_137 : i32
      %scan3A_139 = arith.constant 1 : i32
      %scan3A_140 = scf.for %scan3A_142 = %scan3A_136 to %scan3A_138 step %scan3A_139 iter_args(%scan3A_143 = %scan3A_135) -> (i32)  : i32 {
        %add3A_144 = vector.broadcast %scan3A_142 : i32 to vector<16xi32>
        %add3A_145 = arith.addi %mul3A_9, %add3A_144 : vector<16xi32>
        %gather3A = tpu.vector_load_idx %arg7[%add3A_145] : memref<8928xi32, #tpu.memory_space<vmem>>[vector<16xi32>], vector<16xi32>,
        %gather3A_146 = tpu.vector_load_idx %arg9[%add3A_145] : memref<8928xi32, #tpu.memory_space<vmem>>[vector<16xi32>], vector<16xi32>,
        %gather3A_147 = tpu.vector_load_idx %arg6[%gather3A] : memref<256xf32, #tpu.memory_space<vmem>>[vector<16xi32>], vector<16xf32>,
        tpu.vector_store_idx %arg11[%gather3A_146], %gather3A_147 {add = true} : memref<32768xf32, #tpu.memory_space<vmem>>[vector<16xi32>], vector<16xf32>,
        %scan3A_148 = arith.constant 0 : i32
        scf.yield %scan3A_148 : i32
      }
      %scan3A_141 = arith.constant 8 : i32
    } else {
    }
    "tpu.region"() ({
      %run_scoped3A = tpu.sem_alloc : memref<!tpu.dma_semaphore, #tpu.memory_space<semaphore_mem>>
      %dma_start3A_135 = arith.constant 0 : i32
      %dma_start3A_136 = tpu.memref_slice %arg5[%add3A, %dma_start3A_135] : memref<32x32768xf32, #tpu.memory_space<hbm>> -> memref<1x32768xf32, #tpu.memory_space<hbm>>
      %dma_start3A_137 = tpu.memref_squeeze %dma_start3A_136 : memref<1x32768xf32, #tpu.memory_space<hbm>> -> memref<32768xf32, #tpu.memory_space<hbm>>
      %dma_start3A_138 = arith.constant 0 : i32
      %dma_start3A_139 = tpu.memref_slice %arg5[%add3A, %dma_start3A_138] : memref<32x32768xf32, #tpu.memory_space<hbm>> -> memref<1x32768xf32, #tpu.memory_space<hbm>>
      %dma_start3A_140 = tpu.memref_squeeze %dma_start3A_139 : memref<1x32768xf32, #tpu.memory_space<hbm>> -> memref<32768xf32, #tpu.memory_space<hbm>>
      tpu.enqueue_dma source(%arg11 : memref<32768xf32, #tpu.memory_space<vmem>>) target(%dma_start3A_140 : memref<32768xf32, #tpu.memory_space<hbm>>) target_semaphore(%run_scoped3A : memref<!tpu.dma_semaphore, #tpu.memory_space<semaphore_mem>>)
      %dma_wait3A_141 = arith.constant 0 : i32
      %dma_wait3A_142 = tpu.memref_slice %arg5[%add3A, %dma_wait3A_141] : memref<32x32768xf32, #tpu.memory_space<hbm>> -> memref<1x32768xf32, #tpu.memory_space<hbm>>
      %dma_wait3A_143 = tpu.memref_squeeze %dma_wait3A_142 : memref<1x32768xf32, #tpu.memory_space<hbm>> -> memref<32768xf32, #tpu.memory_space<hbm>>
      %dma_wait3A_144 = arith.constant 0 : i32
      %dma_wait3A_145 = tpu.memref_slice %arg5[%add3A, %dma_wait3A_144] : memref<32x32768xf32, #tpu.memory_space<hbm>> -> memref<1x32768xf32, #tpu.memory_space<hbm>>
      %dma_wait3A_146 = tpu.memref_squeeze %dma_wait3A_145 : memref<1x32768xf32, #tpu.memory_space<hbm>> -> memref<32768xf32, #tpu.memory_space<hbm>>
      tpu.wait_dma2 semaphore(%run_scoped3A : memref<!tpu.dma_semaphore, #tpu.memory_space<semaphore_mem>>) src(%arg11 : memref<32768xf32, #tpu.memory_space<vmem>>) dst(%dma_wait3A_146 : memref<32768xf32, #tpu.memory_space<hbm>>)
      tpu.yield
    }) : () -> ()
    return
  }
}

module attributes {stable_mosaic.version = 14 : i64} {
  func.func @_combine_body(%arg0: memref<32x256x128xf32, #tpu.memory_space<vmem>>, %arg1: memref<256x128xf32, #tpu.memory_space<vmem>>) attributes {dimension_semantics = [], scalar_prefetch = 0 : i64, scratch_operands = 0 : i64, tpu.core_type = #tpu.core_type<tc>} {
    %get3A = arith.constant 0 : index
    %get3A_0 = arith.constant 0 : index
    %get3A_1 = arith.constant 0 : index
    %get3A_2 = vector.load %arg0[%get3A, %get3A_0, %get3A_1] : memref<32x256x128xf32, #tpu.memory_space<vmem>>, vector<32x256x128xf32>
    %reduce_sum3A = arith.constant dense<0.000000e+00> : vector<256x128xf32>
    %reduce_sum3A_3 = vector.multi_reduction <add>, %get3A_2, %reduce_sum3A [0] : vector<32x256x128xf32> to vector<256x128xf32>
    %swap3A = arith.constant 0 : index
    %swap3A_4 = arith.constant 0 : index
    %swap3A_5 = vector.load %arg1[%swap3A, %swap3A_4] : memref<256x128xf32, #tpu.memory_space<vmem>>, vector<256x128xf32>
    tpu.vector_store %arg1[%swap3A, %swap3A_4], %reduce_sum3A_3 {strides = array<i32>} : memref<256x128xf32, #tpu.memory_space<vmem>>, vector<256x128xf32>,
    return
  }
}

</mosaic_0001>

<sc_bundles>
// kernel: kernel.4.cloned.1.call-start
scs
__scs_entry_jumppad:
0x0: {  	(pc) =	sbr.rel $0x88, $3  }
0x1: {  	(tag) =	ssettag $0x0;
	lr =	simm.s32 $0x1  }
0x2: {  	[smem:$0x3F9E] =	sst lr;
	_ =	strace $0xD0000000  }
0x3: {  	_ = 	snop  }
0x4: {  	_ = 	snop  }
0x5: {  	_ = 	snop  }
0x6: {  	_ = 	snop  }
0x7: {  	_ = 	snop  }
__scs_overlays_trampoline_lowered:
0x8: {  	[smem:$0x3FAD] =	sst s0  }
0x9: {  	[smem:$0x3FAE] =	sst s1  }
0xa: {  	[smem:$0x3FAF] =	sst s2  }
0xb: {  	[smem:$0x3FB0] =	sst s3  }
0xc: {  	[smem:$0x3FB1] =	sst s4  }
0xd: {  	[smem:$0x3FB2] =	sst s5  }
0xe: {  	[smem:$0x3FB3] =	sst s6  }
0xf: {  	[smem:$0x3FB4] =	sst s7  }
0x10: {  	[smem:$0x3FB5] =	sst s8  }
0x11: {  	[smem:$0x3FB6] =	sst s9;
	s0 =	simm.s32 @!p0 $0x0  }
0x12: {  	s1 =	sld [smem:$0x3F9C];
	s0 =	simm.s32 @p0 $0x1  }
0x13: {  	[smem:$0x3FB7] =	sst s0;
	s0 =	simm.s32 @!p1 $0x0  }
0x14: {  	s2 =	sld [smem:$0x3F9B];
	s0 =	simm.s32 @p1 $0x1  }
0x15: {  	[smem:$0x3FB8] =	sst s0;
	s0 =	simm.s32 @!p2 $0x0  }
0x16: {  	s3 =	sld [smem:$0x3FDB];
	s0 =	simm.s32 @p2 $0x1  }
0x17: {  	s4 =	simm.s32 $0x1BF5;
	[smem:$0x3FBA] =	sst s0  }
0x18: {  	s0 =	sld [smem:$0x3F9D];
	_ =	swait.ge [sflag:s4], $0x0  }
0x19: {  	s7 =	sld [smem:$0x3F9E]  }
0x1a: {  	s8 =	sadd.s32 $0xFFFFE003, lr  }
0x1b: {  	s9 =	sadd.s32 $0xFFFFFEF7, lr;
	s5 =	simm.s32 $0xFFFFFFFF;
	p2 =	slt.u32 s8, $0xFFFFF086  }
0x1c: {  	p1 =	slt.u32 s9, $0xF7A;
	s5 =	simm.s32 @!p2 $0x0  }
0x1d: {  	s5 =	simm.s32 @p1 $0x1;
	p0 =	seq.s32 s7, s2  }
0x1e: {  	s7 =	smul.u32 @!p0 $0xF7A, s2;
	p2 =	seq.s32 @!p0 s5, $0x0  }
0x1f: {  	s9 =	smul.u32 $0xF7A, s1;
	s8 =	simm.s32 @!p0 $0x1BF5;
	p2 =	por !p2, p0  }
0x20: {  	[sflag:s8] =	ssyncset.s32 @!p0 $0xFFFFF086;
	s6 =	sadd.s32 @!p0 s3, s7;
	s7 =	simm.s32 @!p0 $0x108  }
0x21: {  	s3 =	sadd.s32 s3, s9;
	s6 =	sadd.s32 @!p0 $0x88, s6;
	s7 =	simm.s32 @p2 $0x1082  }
0x22: {  	[simem:s7], [sflag:s8] =	dma.local @!p0 [hbm:s6], $0xF7A  }
0x23: {  	s9 =	sor.u32 $0xD0000000, s2;
	s6 =	simm.s32 $0x108;
	_ =	swait.ge @!p0 [sflag:s8], $0x0  }
0x24: {  	s3 =	sadd.s32 $0x88, s3;
	s6 =	simm.s32 @!p1 $0x1082;
	[sflag:s4] =	ssyncset.s32 $0xFFFFF086  }
0x25: {  	[simem:s6], [sflag:s4] =	dma.local [hbm:s3], $0xF7A  }
0x26: {  	[smem:$0x3F9E] =	sst s1;
	(tag) =	ssettag s2;
	_ =	strace s9  }
0x27: {  	s1 =	sld [smem:$0x3FAE]  }
0x28: {  	s2 =	sld [smem:$0x3FAF]  }
0x29: {  	s4 =	sld [smem:$0x3FB1]  }
0x2a: {  	p0 =	seq.s32 s5, $0x0;
	s5 =	sld [smem:$0x3FB2]  }
0x2b: {  	s6 =	sld [smem:$0x3FB3]  }
0x2c: {  	s7 =	sld [smem:$0x3FB4]  }
0x2d: {  	s3 =	simm.s32 $0x108;
	s8 =	sld [smem:$0x3FB5]  }
0x2e: {  	s3 =	simm.s32 @!p0 $0x1082;
	s9 =	sld [smem:$0x3FB6]  }
0x2f: {  	lr =	sadd.s32 s0, s3;
	s0 =	sld [smem:$0x3FAD]  }
0x30: {  	s3 =	sld [smem:$0x3FB0]  }
0x31: {  	[smem:$0x3FB9] =	sst s10  }
0x32: {  	s10 =	sld [smem:$0x3FB7];
	_ =	sdelay $0x3  }
0x33: {  	p0 =	seq.s32 s10, $0x1;
	s10 =	sld [smem:$0x3FB9];
	_ =	sdelay $0x3  }
0x34: {  	[smem:$0x3FB9] =	sst s10  }
0x35: {  	s10 =	sld [smem:$0x3FB8];
	_ =	sdelay $0x3  }
0x36: {  	p1 =	seq.s32 s10, $0x1;
	s10 =	sld [smem:$0x3FB9];
	_ =	sdelay $0x3  }
0x37: {  	[smem:$0x3FB9] =	sst s10  }
0x38: {  	s10 =	sld [smem:$0x3FBA]  }
0x39: {  	_ = 	snop;
	(pc) =	sbr.ind lr, $3  }
0x3a: {  	_ = 	snop  }
0x3b: {  	_ = 	snop  }
0x3c: {  	p2 =	seq.s32 s10, $0x1;
	s10 =	sld [smem:$0x3FB9]  }
0x3d: {  	_ =	shalt  }
0x3e: {  	_ =	shalt  }
0x3f: {  	_ =	shalt  }
0x40: {  	_ =	shalt  }
0x41: {  	_ =	shalt  }
0x42: {  	_ =	shalt  }
0x43: {  	_ =	shalt  }
0x44: {  	_ =	shalt  }
0x45: {  	_ =	shalt  }
0x46: {  	_ =	shalt  }
0x47: {  	_ =	shalt  }
0x48: {  	_ =	shalt  }
0x49: {  	_ =	shalt  }
0x4a: {  	_ =	shalt  }
0x4b: {  	_ =	shalt  }
0x4c: {  	_ =	shalt  }
0x4d: {  	_ =	shalt  }
0x4e: {  	_ =	shalt  }
0x4f: {  	_ =	shalt  }
0x50: {  	_ =	shalt  }
0x51: {  	_ =	shalt  }
0x52: {  	_ =	shalt  }
0x53: {  	_ =	shalt  }
0x54: {  	_ =	shalt  }
0x55: {  	_ =	shalt  }
0x56: {  	_ =	shalt  }
0x57: {  	_ =	shalt  }
0x58: {  	_ =	shalt  }
0x59: {  	_ =	shalt  }
0x5a: {  	_ =	shalt  }
0x5b: {  	_ =	shalt  }
0x5c: {  	_ =	shalt  }
0x5d: {  	_ =	shalt  }
0x5e: {  	_ =	shalt  }
0x5f: {  	_ =	shalt  }
0x60: {  	_ =	shalt  }
0x61: {  	_ =	shalt  }
0x62: {  	_ =	shalt  }
0x63: {  	_ =	shalt  }
0x64: {  	_ =	shalt  }
0x65: {  	_ =	shalt  }
0x66: {  	_ =	shalt  }
0x67: {  	_ =	shalt  }
0x68: {  	_ =	shalt  }
0x69: {  	_ =	shalt  }
0x6a: {  	_ =	shalt  }
0x6b: {  	_ =	shalt  }
0x6c: {  	_ =	shalt  }
0x6d: {  	_ =	shalt  }
0x6e: {  	_ =	shalt  }
0x6f: {  	_ =	shalt  }
0x70: {  	_ =	shalt  }
0x71: {  	_ =	shalt  }
0x72: {  	_ =	shalt  }
0x73: {  	_ =	shalt  }
0x74: {  	_ =	shalt  }
0x75: {  	_ =	shalt  }
0x76: {  	_ =	shalt  }
0x77: {  	_ =	shalt  }
0x78: {  	_ =	shalt  }
0x79: {  	_ =	shalt  }
0x7a: {  	_ =	shalt  }
0x7b: {  	_ =	shalt  }
0x7c: {  	_ =	shalt  }
0x7d: {  	_ =	shalt  }
0x7e: {  	_ =	shalt  }
0x7f: {  	_ =	shalt  }
0x80: {  	_ =	shalt  }
0x81: {  	_ =	shalt  }
0x82: {  	_ =	shalt  }
0x83: {  	_ =	shalt  }
0x84: {  	_ =	shalt  }
0x85: {  	_ =	shalt  }
0x86: {  	_ =	shalt  }
0x87: {  	_ =	shalt  }
.Lfunc_end0:
.L_simem_size_0:
called_computation_lowered:
.L_overlay_start_0:
0x88: {  	s2 =	sld [smem:$0x3FD9]  }
0x89: {  	s3 =	sld [smem:$0x3FFE];
	_ =	sdelay $0x1  }
0x8a: {  	s1 =	srdreg.scid  }
0x8b: {  	s0 =	sand.u32 $0x1, s1  }
0x8c: {  	s17 =	sshll.u32 s0, $0xA;
	s2 =	sadd.s32 s3, s2  }
0x8d: {  	s2 =	sadd.s32 s2, s17  }
0x8e: {  	[smem:$0x3FC5] =	sst s2  }
0x8f: {  	_ = 	snop  }
0x90: {  	s2 =	sld [smem:$0x3FC9]  }
0x91: {  	s18 =	sld [smem:$0x3FC8]  }
0x92: {  	s4 =	sld [smem:$0x3FD0];
	(tm) =	ssettm $0x1  }
0x93: {  	s5 =	sld [smem:$0x3FFB];
	_ =	sdelay $0x3  }
0x94: {  	_ =	strace s5  }
0x95: {  	s5 =	sld [smem:$0x3FFC];
	_ =	sdelay $0x3  }
0x96: {  	_ =	strace s5  }
0x97: {  	s5 =	sld [smem:$0x3FFD];
	_ =	sdelay $0x3  }
0x98: {  	_ =	strace s5  }
0x99: {  	_ =	strace $0x8FFFFFFF  }
0x9a: {  	s19 =	sld [smem:$0x3FDB];
	_ =	sdelay $0x1  }
0x9b: {  	s6 =	simm.s32 $_scs_section_size  }
0x9c: {  	s7 =	simm.s32 $_size__tile_overlayer_lowered;
	s8 =	simm.s32 $_tile_overlayer_lowered  }
0x9d: {  	s22 =	simm.s32 $0x1BFF;
	s21 =	sshll.u32 s8, $0x1;
	s5 =	sadd.s32 s6, s19  }
0x9e: {  	s9 =	simm.s32 $0x0;
	s20 =	sshll.u32 s7, $0x1;
	s7 =	sadd.s32 s21, s5  }
0x9f: {  	[timem:s9], [sflag:s22] =	dma.local [hbm:s7], s20  }
0xa0: {  	_ =	swait.ge [sflag:s22], s20  }
0xa1: {  	s6 =	ssub.s32 $0x0, s20;
	[sflag:s22] =	ssyncset.done $0x0  }
0xa2: {  	[sflag:s22] =	ssyncadd.s32 s6;
	_ =	sdelay $0x1  }
0xa3: {  	s23 =	simm.s32 $0x1B8B  }
0xa4: {  	_ =	swait.ge [sflag:s23], $0x1  }
0xa5: {  	[sflag:s23] =	ssyncset.done $0x0  }
0xa6: {  	s25 =	simm.s32 $0x1B8E;
	s24 =	sld [smem:$0x3FFE];
	[sflag:s23] =	ssyncadd.s32 $0xFFFFFFFF  }
0xa7: {  	s26 =	simm.s32 $execute0_lowered;
	[smem:$0x3FD2] =	sst s25  }
0xa8: {  	s7 =	sshll.u32 s26, $0x1;
	_ =	strace $0x80000046;
	[dreg:$0x1] =	wrdreg $0xFFFFFFFF  }
0xa9: {  	s28 =	simm.s32 $_size_execute0_lowered;
	s5 =	sadd.s32 s5, s7;
	[dreg:$0x0] =	wrdreg $0x0  }
0xaa: {  	s7 =	sshll.u32 s28, $0x1;
	[dreg:$0x2] =	wrdreg s5  }
0xab: {  	[dreg:$0x3] =	wrdreg s7  }
0xac: {  	[dreg:$0x4] =	wrdreg $0xC0  }
0xad: {  	_ =	task [dreg:s9], $0x5FFFF  }
0xae: {  	[dreg:$0x1] =	wrdreg $0xFFFFFFFF  }
0xaf: {  	[dreg:$0x0] =	wrdreg $0x60  }
0xb0: {  	[dreg:$0x2] =	wrdreg s4  }
0xb1: {  	[dreg:$0x3] =	wrdreg s2  }
0xb2: {  	[dreg:$0x4] =	wrdreg s18  }
0xb3: {  	[dreg:$0x5] =	wrdreg s24  }
0xb4: {  	[dreg:$0x6] =	wrdreg $0x9  }
0xb5: {  	_ =	task.clear_ibuf [dreg:s9], $0x7FFFF;
	_ =	strace $0x90000046  }
0xb6: {  	s29 =	simm.s32 $0x9;
	_ =	strace $0x80000048  }
0xb7: {  	_ =	swait.ge [sflag:s29], $0x1  }
0xb8: {  	[sflag:s29] =	ssyncadd.s32 $0xFFFFFFFF  }
0xb9: {  	_ =	strace $0x90000048  }
0xba: {  	_ =	sfence  }
0xbb: {  	s30 =	sld [smem:$0x0];
	_ =	sdelay $0x2  }
0xbc: {  	s31 =	sshll.u32 s1, $0xD;
	s1 =	sshrl.u32 s1, $0x2  }
0xbd: {  	s3 =	sand.u32 $0x4000, s31;
	s1 =	sadd.s32 s1, s30  }
0xbe: {  	s0 =	sor.u32 s3, s0;
	s1 =	sshll.u32 s1, $0x11  }
0xbf: {  	s0 =	sor.u32 s1, s0  }
0xc0: {  	s0 =	sadd.s32 $0x8F2B, s0  }
0xc1: {  	[sflag:s0] =	ssyncadd.remote.s32 $0x1  }
0xc2: {  	_ =	sfence.sel $0xFFFF  }
0xc3: {  	[dreg:$0x0] =	wrdreg $0xFFFFFFFF;
	(pc) =	sbr.abs _section_cstart, $3  }
0xc4: {  	[dreg:$0x1] =	wrdreg $0xFFFFFFFF  }
0xc5: {  	_ =	task.clear_ibuf [dreg:s9], $0x2FFFF;
	_ =	strace $0x9FFFFFFF  }
0xc6: {  	(tm) =	ssettm $0x7FFFFFFF  }
0xc7: {  	_ =	shalt  }
tec
execute0_lowered:
.L_overlay_start_1:
0x0: {  	(tag) =	ssettag $0x1  }
0x1: {  	s0 =	rddreg [dreg:$0x1]  }
0x2: {  	s1 =	rddreg [dreg:$0x2]  }
0x3: {  	s2 =	rddreg [dreg:$0x3];
	s6 =	stileid.u32  }
0x4: {  	s4 =	srdreg.scid;
	s3 =	simm.s32 $0x0;
	s22 =	simm.s32 $0x3  }
0x5: {  	s28 =	simm.s32 $0x6A00;
	s29 =	simm.s32 $0x8D00;
	s30 =	simm.s32 $0x2  }
0x6: {  	s4 =	sand.u32 $0x1, s4;
	s5 =	sshll.u32 s6, $0x1;
	[smem:$0x7FF] =	sst s3  }
0x7: {  	s23 =	sshll.u32 s6, $0xD;
	s25 =	sor.u32 s4, s5;
	s4 =	ssub.s32 $0x2, s4  }
0x8: {  	_ =	strace $0x80000047;
	s5 =	sand.u32 $0x18000, s23;
	s23 =	simm.s32 $0x100  }
0x9: {  	s24 =	smul.u32 $0xF420, s25;
	s7 =	sshrl.u32 s4, $0x1;
	s2 =	sadd.s32 s5, s2  }
0xa: {  	s18 =	sshll.u32 s25, $0x4;
	p0 =	sne.s32 s25, $0x1F;
	s25 =	simm.s32 $0x1  }
0xb: {  	s21 =	ssub.s32 s4, s7;
	s19 =	sand.u32 $0x70, s18;
	s18 =	sadd.s32 $0x3D080, s0  }
0xc: {  	s15 =	sshrl.u32 s24, $0x3;
	s31 =	sadd.s32 s19, s2;
	s19 =	sadd.s32 $0x3D080, s1  }
0xd: {  	s21 =	smax.u32 s21, $0x1;
	s24 =	simm.s32 $0x4700;
	s2 =	simm.s32 $0x0  }
0xe: {  	s4 =	sadd.s32 s0, s15;
	s5 =	sadd.s32 s1, s15;
	s26 =	sadd.s32 $0x45C, s15  }
0xf: {  	s9 =	sadd.s32 $0x8B8, s15;
	s11 =	sadd.s32 $0xD14, s15;
	s13 =	sadd.s32 $0x1170, s15  }
0x10: {  	s16 =	sadd.s32 $0x15CC, s15;
	s17 =	sadd.s32 $0x1A28, s15;
	s20 =	sadd.s32 $0x400, s31  }
.Ltmp0:
0x11: {  	s6 =	sadd.s32 s0, s26;
	s7 =	sadd.s32 s1, s26;
	(pc) =	sbr.rel .LBB2_1-.Ltmp0, $4  }
0x12: {  	s8 =	sadd.s32 s0, s9;
	s9 =	sadd.s32 s1, s9;
	s10 =	sadd.s32 s0, s11  }
0x13: {  	s11 =	sadd.s32 s1, s11;
	s12 =	sadd.s32 s0, s13;
	s13 =	sadd.s32 s1, s13  }
0x14: {  	v0 =	vlaneseq.u32;
	s14 =	sadd.s32 s0, s16;
	s15 =	sadd.s32 s1, s16;
	s16 =	sadd.s32 s0, s17  }
0x15: {  	v1 =	vimm.f32 $0.0e+00;
	v2 =	vmul.u32 $0x22E, v0;
	s17 =	sadd.s32 s1, s17;
	s26 =	simm.s32 $0x2400;
	s0 =	simm.s32 $0x400  }
.LBB2_20:
0x16: {  	v3 =	vor.u32 s1, v3;
	_ =	sdelay $0x3  }
0x17: {  	[tilespmem:v4+s29+$0x0] =	vst.idx.add.f32.msk $0xffff, v5  }
0x18: {  	v4 =	vld.idx.msk [tilespmem:v3+s23+$0x0], $0xffff;
	_ =	sdelay $0x4  }
0x19: {  	v3 =	vld.idx.msk [tilespmem:v3+s24+$0x0], $0xffff;
	_ =	sdelay $0x2  }
0x1a: {  	v4 =	vld.idx.msk [tilespmem:v4+s3+$0x0], $0xffff;
	_ =	sdelay $0x4  }
0x1b: {  	[tilespmem:v3+s29+$0x0] =	vst.idx.add.f32.msk $0xffff, v4  }
.LBB2_21:
0x1c: {  	s2 =	sadd.s32 $0x1, s2  }
0x1d: {  	p1 =	sne.s32 s2, s21  }
.Ltmp1:
0x1e: {  	s1 =	simm.s32 $0x80;
	(pc) =	sbr.rel @!p1 .LBB2_22-.Ltmp1, $4  }
0x1f: {  	[hbm4b:s20+s1] =	stream.strided.scatter [tilespmem:s29], [sflag:$0x3], $0x8000, s0, s1, $0x38;
	[tilespmem:$0x10D00] =	vst v63  }
0x20: {  	_ =	swait.ge [sflag:s22], $0x8000  }
0x21: {  	[sflag:s22] =	ssyncset.done $0x0  }
0x22: {  	[sflag:s22] =	ssyncadd.s32 $0xFFFF8000  }
.LBB2_1:
0x23: {  	s1 =	rddreg [dreg:$0x0]  }
0x24: {  	[tilespmem:s3], [sflag:$0x3] =	stream.linear.gather [hbm4b:s1+s3], $0x100, $0x38;
	[tilespmem:$0x10D00] =	vst v63  }
0x25: {  	_ =	swait.ge [sflag:s22], $0x100  }
0x26: {  	[sflag:s22] =	ssyncset.done $0x0  }
0x27: {  	[sflag:s22] =	ssyncadd.s32 $0xFFFFFF00  }
0x28: {  	[tilespmem:s23], [sflag:$0x1] =	stream.linear.gather [hbm4b:s4+s3], $0x22E0, $0x38;
	[tilespmem:$0x10D00] =	vst v63  }
0x29: {  	s31 =	simm.s32 $0x200;
	s1 =	simm.s32 $0x0  }
0x2a: {  	[tilespmem:s24], [sflag:$0x1] =	stream.linear.gather [hbm4b:s5+s3], $0x22E0, $0x38;
	[tilespmem:$0x10D00] =	vst v63  }
.LBB2_2:
0x2b: {  	p1 =	sne.s32 s31, $0x1FE00;
	[tilespmem:s1+$0x8D70] =	vst v1  }
0x2c: {  	[tilespmem:s1+$0x8D00] =	vst v1  }
0x2d: {  	[tilespmem:s1+$0x8D10] =	vst v1  }
.Ltmp2:
0x2e: {  	[tilespmem:s1+$0x8D20] =	vst v1;
	(pc) =	sbr.rel @p1 .LBB2_2-.Ltmp2, $4  }
0x2f: {  	[tilespmem:s1+$0x8D30] =	vst v1  }
0x30: {  	[tilespmem:s1+$0x8D40] =	vst v1  }
0x31: {  	[tilespmem:s1+$0x8D50] =	vst v1  }
0x32: {  	[tilespmem:s1+$0x8D60] =	vst v1;
	s1 =	sshra.s32 s31, $0x2;
	s31 =	sadd.s32 $0x200, s31  }
0x33: {  	[tilespmem:s1+$0x8D70] =	vst v1  }
0x34: {  	[tilespmem:s1+$0x8D00] =	vst v1  }
0x35: {  	[tilespmem:s1+$0x8D10] =	vst v1  }
0x36: {  	[tilespmem:s1+$0x8D20] =	vst v1  }
0x37: {  	[tilespmem:s1+$0x8D30] =	vst v1  }
0x38: {  	[tilespmem:s1+$0x8D40] =	vst v1  }
0x39: {  	[tilespmem:s1+$0x8D50] =	vst v1  }
0x3a: {  	[tilespmem:s1+$0x8D60] =	vst v1  }
0x3b: {  	_ =	swait.ge [sflag:s25], $0x22E0  }
0x3c: {  	[sflag:s25] =	ssyncset.done $0x0  }
0x3d: {  	[sflag:s25] =	ssyncadd.s32 $0xFFFFDD20  }
0x3e: {  	_ =	swait.ge [sflag:s25], $0x22E0  }
0x3f: {  	[sflag:s25] =	ssyncset.done $0x0  }
0x40: {  	[sflag:s25] =	ssyncadd.s32 $0xFFFFDD20  }
0x41: {  	[tilespmem:s26], [sflag:$0x2] =	stream.linear.gather [hbm4b:s6+s3], $0x22E0, $0x38;
	[tilespmem:$0x10D00] =	vst v63  }
0x42: {  	s1 =	simm.s32 $0x8  }
0x43: {  	[tilespmem:s28], [sflag:$0x2] =	stream.linear.gather [hbm4b:s7+s3], $0x22E0, $0x38;
	[tilespmem:$0x10D00] =	vst v63  }
.LBB2_4:
0x44: {  	s31 =	sadd.s32 $0xFFFFFFF8, s1  }
0x45: {  	v3 =	vadd.s32 s31, v2;
	_ =	sdelay $0x4  }
0x46: {  	v4 =	vld.idx.msk [tilespmem:v3+s23+$0x0], $0xffff;
	_ =	sdelay $0x4  }
0x47: {  	v3 =	vld.idx.msk [tilespmem:v3+s24+$0x0], $0xffff;
	_ =	sdelay $0x2  }
0x48: {  	s31 =	sadd.s32 $0xFFFFFFF9, s1;
	v4 =	vld.idx.msk [tilespmem:v4+s3+$0x0], $0xffff  }
0x49: {  	v5 =	vadd.s32 s31, v2;
	_ =	sdelay $0x3  }
0x4a: {  	[tilespmem:v3+s29+$0x0] =	vst.idx.add.f32.msk $0xffff, v4  }
0x4b: {  	v3 =	vld.idx.msk [tilespmem:v5+s23+$0x0], $0xffff;
	_ =	sdelay $0x4  }
0x4c: {  	v4 =	vld.idx.msk [tilespmem:v5+s24+$0x0], $0xffff;
	_ =	sdelay $0x2  }
0x4d: {  	s31 =	sadd.s32 $0xFFFFFFFA, s1;
	v3 =	vld.idx.msk [tilespmem:v3+s3+$0x0], $0xffff  }
0x4e: {  	v57 =	vadd.s32 s31, v2;
	_ =	sdelay $0x3  }
0x4f: {  	[tilespmem:v4+s29+$0x0] =	vst.idx.add.f32.msk $0xffff, v3  }
0x50: {  	v3 =	vld.idx.msk [tilespmem:v57+s23+$0x0], $0xffff;
	_ =	sdelay $0x4  }
0x51: {  	v4 =	vld.idx.msk [tilespmem:v57+s24+$0x0], $0xffff;
	_ =	sdelay $0x2  }
0x52: {  	s31 =	sadd.s32 $0xFFFFFFFB, s1;
	v3 =	vld.idx.msk [tilespmem:v3+s3+$0x0], $0xffff  }
0x53: {  	v58 =	vadd.s32 s31, v2;
	_ =	sdelay $0x3  }
0x54: {  	[tilespmem:v4+s29+$0x0] =	vst.idx.add.f32.msk $0xffff, v3  }
0x55: {  	v3 =	vld.idx.msk [tilespmem:v58+s23+$0x0], $0xffff;
	_ =	sdelay $0x4  }
0x56: {  	v4 =	vld.idx.msk [tilespmem:v58+s24+$0x0], $0xffff;
	_ =	sdelay $0x2  }
0x57: {  	s31 =	sadd.s32 $0xFFFFFFFC, s1;
	v3 =	vld.idx.msk [tilespmem:v3+s3+$0x0], $0xffff  }
0x58: {  	v59 =	vadd.s32 s31, v2;
	_ =	sdelay $0x3  }
0x59: {  	[tilespmem:v4+s29+$0x0] =	vst.idx.add.f32.msk $0xffff, v3  }
0x5a: {  	v3 =	vld.idx.msk [tilespmem:v59+s23+$0x0], $0xffff;
	_ =	sdelay $0x4  }
0x5b: {  	v4 =	vld.idx.msk [tilespmem:v59+s24+$0x0], $0xffff;
	_ =	sdelay $0x2  }
0x5c: {  	s31 =	sadd.s32 $0xFFFFFFFD, s1;
	v3 =	vld.idx.msk [tilespmem:v3+s3+$0x0], $0xffff  }
0x5d: {  	v60 =	vadd.s32 s31, v2;
	_ =	sdelay $0x3  }
0x5e: {  	[tilespmem:v4+s29+$0x0] =	vst.idx.add.f32.msk $0xffff, v3  }
0x5f: {  	v3 =	vld.idx.msk [tilespmem:v60+s23+$0x0], $0xffff;
	_ =	sdelay $0x4  }
0x60: {  	v4 =	vld.idx.msk [tilespmem:v60+s24+$0x0], $0xffff;
	_ =	sdelay $0x2  }
0x61: {  	s31 =	sadd.s32 $0xFFFFFFFE, s1;
	v3 =	vld.idx.msk [tilespmem:v3+s3+$0x0], $0xffff  }
0x62: {  	v61 =	vadd.s32 s31, v2;
	_ =	sdelay $0x3  }
0x63: {  	[tilespmem:v4+s29+$0x0] =	vst.idx.add.f32.msk $0xffff, v3  }
0x64: {  	v3 =	vld.idx.msk [tilespmem:v61+s23+$0x0], $0xffff;
	_ =	sdelay $0x4  }
0x65: {  	v4 =	vld.idx.msk [tilespmem:v61+s24+$0x0], $0xffff;
	_ =	sdelay $0x2  }
0x66: {  	s31 =	sadd.s32 $0xFFFFFFFF, s1;
	v3 =	vld.idx.msk [tilespmem:v3+s3+$0x0], $0xffff  }
0x67: {  	v62 =	vadd.s32 s31, v2;
	_ =	sdelay $0x3  }
0x68: {  	[tilespmem:v4+s29+$0x0] =	vst.idx.add.f32.msk $0xffff, v3  }
0x69: {  	v3 =	vld.idx.msk [tilespmem:v62+s23+$0x0], $0xffff;
	_ =	sdelay $0x4  }
0x6a: {  	v4 =	vld.idx.msk [tilespmem:v62+s24+$0x0], $0xffff;
	_ =	sdelay $0x2  }
0x6b: {  	v3 =	vld.idx.msk [tilespmem:v3+s3+$0x0], $0xffff  }
0x6c: {  	v63 =	vadd.s32 s1, v2;
	_ =	sdelay $0x3  }
0x6d: {  	[tilespmem:v4+s29+$0x0] =	vst.idx.add.f32.msk $0xffff, v3  }
0x6e: {  	v3 =	vld.idx.msk [tilespmem:v63+s23+$0x0], $0xffff;
	_ =	sdelay $0x4  }
0x6f: {  	v4 =	vld.idx.msk [tilespmem:v63+s24+$0x0], $0xffff;
	_ =	sdelay $0x2  }
0x70: {  	p1 =	sne.s32 s1, $0x22D;
	v3 =	vld.idx.msk [tilespmem:v3+s3+$0x0], $0xffff  }
.Ltmp3:
0x71: {  	_ = 	snop;
	(pc) =	sbr.rel @p1 .LBB2_4-.Ltmp3, $2  }
0x72: {  	_ =	sdelay $0x2  }
0x73: {  	s1 =	sadd.s32 $0x9, s1;
	[tilespmem:v4+s29+$0x0] =	vst.idx.add.f32.msk $0xffff, v3  }
0x74: {  	_ =	swait.ge [sflag:s30], $0x22E0  }
0x75: {  	[sflag:s30] =	ssyncset.done $0x0  }
0x76: {  	[sflag:s30] =	ssyncadd.s32 $0xFFFFDD20  }
0x77: {  	_ =	swait.ge [sflag:s30], $0x22E0  }
0x78: {  	[sflag:s30] =	ssyncset.done $0x0  }
0x79: {  	[sflag:s30] =	ssyncadd.s32 $0xFFFFDD20  }
0x7a: {  	[tilespmem:s23], [sflag:$0x1] =	stream.linear.gather [hbm4b:s8+s3], $0x22E0, $0x38;
	[tilespmem:$0x10D00] =	vst v63  }
0x7b: {  	s1 =	simm.s32 $0x8  }
0x7c: {  	[tilespmem:s24], [sflag:$0x1] =	stream.linear.gather [hbm4b:s9+s3], $0x22E0, $0x38;
	[tilespmem:$0x10D00] =	vst v63  }
.LBB2_6:
0x7d: {  	s31 =	sadd.s32 $0xFFFFFFF8, s1  }
0x7e: {  	v3 =	vadd.s32 s31, v2;
	_ =	sdelay $0x4  }
0x7f: {  	v4 =	vld.idx.msk [tilespmem:v3+s26+$0x0], $0xffff;
	_ =	sdelay $0x4  }
0x80: {  	v3 =	vld.idx.msk [tilespmem:v3+s28+$0x0], $0xffff;
	_ =	sdelay $0x2  }
0x81: {  	s31 =	sadd.s32 $0xFFFFFFF9, s1;
	v4 =	vld.idx.msk [tilespmem:v4+s3+$0x0], $0xffff  }
0x82: {  	v5 =	vadd.s32 s31, v2;
	_ =	sdelay $0x3  }
0x83: {  	[tilespmem:v3+s29+$0x0] =	vst.idx.add.f32.msk $0xffff, v4  }
0x84: {  	v3 =	vld.idx.msk [tilespmem:v5+s26+$0x0], $0xffff;
	_ =	sdelay $0x4  }
0x85: {  	v4 =	vld.idx.msk [tilespmem:v5+s28+$0x0], $0xffff;
	_ =	sdelay $0x2  }
0x86: {  	s31 =	sadd.s32 $0xFFFFFFFA, s1;
	v3 =	vld.idx.msk [tilespmem:v3+s3+$0x0], $0xffff  }
0x87: {  	v57 =	vadd.s32 s31, v2;
	_ =	sdelay $0x3  }
0x88: {  	[tilespmem:v4+s29+$0x0] =	vst.idx.add.f32.msk $0xffff, v3  }
0x89: {  	v3 =	vld.idx.msk [tilespmem:v57+s26+$0x0], $0xffff;
	_ =	sdelay $0x4  }
0x8a: {  	v4 =	vld.idx.msk [tilespmem:v57+s28+$0x0], $0xffff;
	_ =	sdelay $0x2  }
0x8b: {  	s31 =	sadd.s32 $0xFFFFFFFB, s1;
	v3 =	vld.idx.msk [tilespmem:v3+s3+$0x0], $0xffff  }
0x8c: {  	v58 =	vadd.s32 s31, v2;
	_ =	sdelay $0x3  }
0x8d: {  	[tilespmem:v4+s29+$0x0] =	vst.idx.add.f32.msk $0xffff, v3  }
0x8e: {  	v3 =	vld.idx.msk [tilespmem:v58+s26+$0x0], $0xffff;
	_ =	sdelay $0x4  }
0x8f: {  	v4 =	vld.idx.msk [tilespmem:v58+s28+$0x0], $0xffff;
	_ =	sdelay $0x2  }
0x90: {  	s31 =	sadd.s32 $0xFFFFFFFC, s1;
	v3 =	vld.idx.msk [tilespmem:v3+s3+$0x0], $0xffff  }
0x91: {  	v59 =	vadd.s32 s31, v2;
	_ =	sdelay $0x3  }
0x92: {  	[tilespmem:v4+s29+$0x0] =	vst.idx.add.f32.msk $0xffff, v3  }
0x93: {  	v3 =	vld.idx.msk [tilespmem:v59+s26+$0x0], $0xffff;
	_ =	sdelay $0x4  }
0x94: {  	v4 =	vld.idx.msk [tilespmem:v59+s28+$0x0], $0xffff;
	_ =	sdelay $0x2  }
0x95: {  	s31 =	sadd.s32 $0xFFFFFFFD, s1;
	v3 =	vld.idx.msk [tilespmem:v3+s3+$0x0], $0xffff  }
0x96: {  	v60 =	vadd.s32 s31, v2;
	_ =	sdelay $0x3  }
0x97: {  	[tilespmem:v4+s29+$0x0] =	vst.idx.add.f32.msk $0xffff, v3  }
0x98: {  	v3 =	vld.idx.msk [tilespmem:v60+s26+$0x0], $0xffff;
	_ =	sdelay $0x4  }
0x99: {  	v4 =	vld.idx.msk [tilespmem:v60+s28+$0x0], $0xffff;
	_ =	sdelay $0x2  }
0x9a: {  	s31 =	sadd.s32 $0xFFFFFFFE, s1;
	v3 =	vld.idx.msk [tilespmem:v3+s3+$0x0], $0xffff  }
0x9b: {  	v61 =	vadd.s32 s31, v2;
	_ =	sdelay $0x3  }
0x9c: {  	[tilespmem:v4+s29+$0x0] =	vst.idx.add.f32.msk $0xffff, v3  }
0x9d: {  	v3 =	vld.idx.msk [tilespmem:v61+s26+$0x0], $0xffff;
	_ =	sdelay $0x4  }
0x9e: {  	v4 =	vld.idx.msk [tilespmem:v61+s28+$0x0], $0xffff;
	_ =	sdelay $0x2  }
0x9f: {  	s31 =	sadd.s32 $0xFFFFFFFF, s1;
	v3 =	vld.idx.msk [tilespmem:v3+s3+$0x0], $0xffff  }
0xa0: {  	v62 =	vadd.s32 s31, v2;
	_ =	sdelay $0x3  }
0xa1: {  	[tilespmem:v4+s29+$0x0] =	vst.idx.add.f32.msk $0xffff, v3  }
0xa2: {  	v3 =	vld.idx.msk [tilespmem:v62+s26+$0x0], $0xffff;
	_ =	sdelay $0x4  }
0xa3: {  	v4 =	vld.idx.msk [tilespmem:v62+s28+$0x0], $0xffff;
	_ =	sdelay $0x2  }
0xa4: {  	v3 =	vld.idx.msk [tilespmem:v3+s3+$0x0], $0xffff  }
0xa5: {  	v63 =	vadd.s32 s1, v2;
	_ =	sdelay $0x3  }
0xa6: {  	[tilespmem:v4+s29+$0x0] =	vst.idx.add.f32.msk $0xffff, v3  }
0xa7: {  	v3 =	vld.idx.msk [tilespmem:v63+s26+$0x0], $0xffff;
	_ =	sdelay $0x4  }
0xa8: {  	v4 =	vld.idx.msk [tilespmem:v63+s28+$0x0], $0xffff;
	_ =	sdelay $0x2  }
0xa9: {  	p1 =	sne.s32 s1, $0x22D;
	v3 =	vld.idx.msk [tilespmem:v3+s3+$0x0], $0xffff  }
.Ltmp4:
0xaa: {  	_ = 	snop;
	(pc) =	sbr.rel @p1 .LBB2_6-.Ltmp4, $2  }
0xab: {  	_ =	sdelay $0x2  }
0xac: {  	s1 =	sadd.s32 $0x9, s1;
	[tilespmem:v4+s29+$0x0] =	vst.idx.add.f32.msk $0xffff, v3  }
0xad: {  	_ =	swait.ge [sflag:s25], $0x22E0  }
0xae: {  	[sflag:s25] =	ssyncset.done $0x0  }
0xaf: {  	[sflag:s25] =	ssyncadd.s32 $0xFFFFDD20  }
0xb0: {  	_ =	swait.ge [sflag:s25], $0x22E0  }
0xb1: {  	[sflag:s25] =	ssyncset.done $0x0  }
0xb2: {  	[sflag:s25] =	ssyncadd.s32 $0xFFFFDD20  }
0xb3: {  	[tilespmem:s26], [sflag:$0x2] =	stream.linear.gather [hbm4b:s10+s3], $0x22E0, $0x38;
	[tilespmem:$0x10D00] =	vst v63  }
0xb4: {  	s1 =	simm.s32 $0x8  }
0xb5: {  	[tilespmem:s28], [sflag:$0x2] =	stream.linear.gather [hbm4b:s11+s3], $0x22E0, $0x38;
	[tilespmem:$0x10D00] =	vst v63  }
.LBB2_8:
0xb6: {  	s31 =	sadd.s32 $0xFFFFFFF8, s1  }
0xb7: {  	v3 =	vadd.s32 s31, v2;
	_ =	sdelay $0x4  }
0xb8: {  	v4 =	vld.idx.msk [tilespmem:v3+s23+$0x0], $0xffff;
	_ =	sdelay $0x4  }
0xb9: {  	v3 =	vld.idx.msk [tilespmem:v3+s24+$0x0], $0xffff;
	_ =	sdelay $0x2  }
0xba: {  	s31 =	sadd.s32 $0xFFFFFFF9, s1;
	v4 =	vld.idx.msk [tilespmem:v4+s3+$0x0], $0xffff  }
0xbb: {  	v5 =	vadd.s32 s31, v2;
	_ =	sdelay $0x3  }
0xbc: {  	[tilespmem:v3+s29+$0x0] =	vst.idx.add.f32.msk $0xffff, v4  }
0xbd: {  	v3 =	vld.idx.msk [tilespmem:v5+s23+$0x0], $0xffff;
	_ =	sdelay $0x4  }
0xbe: {  	v4 =	vld.idx.msk [tilespmem:v5+s24+$0x0], $0xffff;
	_ =	sdelay $0x2  }
0xbf: {  	s31 =	sadd.s32 $0xFFFFFFFA, s1;
	v3 =	vld.idx.msk [tilespmem:v3+s3+$0x0], $0xffff  }
0xc0: {  	v57 =	vadd.s32 s31, v2;
	_ =	sdelay $0x3  }
0xc1: {  	[tilespmem:v4+s29+$0x0] =	vst.idx.add.f32.msk $0xffff, v3  }
0xc2: {  	v3 =	vld.idx.msk [tilespmem:v57+s23+$0x0], $0xffff;
	_ =	sdelay $0x4  }
0xc3: {  	v4 =	vld.idx.msk [tilespmem:v57+s24+$0x0], $0xffff;
	_ =	sdelay $0x2  }
0xc4: {  	s31 =	sadd.s32 $0xFFFFFFFB, s1;
	v3 =	vld.idx.msk [tilespmem:v3+s3+$0x0], $0xffff  }
0xc5: {  	v58 =	vadd.s32 s31, v2;
	_ =	sdelay $0x3  }
0xc6: {  	[tilespmem:v4+s29+$0x0] =	vst.idx.add.f32.msk $0xffff, v3  }
0xc7: {  	v3 =	vld.idx.msk [tilespmem:v58+s23+$0x0], $0xffff;
	_ =	sdelay $0x4  }
0xc8: {  	v4 =	vld.idx.msk [tilespmem:v58+s24+$0x0], $0xffff;
	_ =	sdelay $0x2  }
0xc9: {  	s31 =	sadd.s32 $0xFFFFFFFC, s1;
	v3 =	vld.idx.msk [tilespmem:v3+s3+$0x0], $0xffff  }
0xca: {  	v59 =	vadd.s32 s31, v2;
	_ =	sdelay $0x3  }
0xcb: {  	[tilespmem:v4+s29+$0x0] =	vst.idx.add.f32.msk $0xffff, v3  }
0xcc: {  	v3 =	vld.idx.msk [tilespmem:v59+s23+$0x0], $0xffff;
	_ =	sdelay $0x4  }
0xcd: {  	v4 =	vld.idx.msk [tilespmem:v59+s24+$0x0], $0xffff;
	_ =	sdelay $0x2  }
0xce: {  	s31 =	sadd.s32 $0xFFFFFFFD, s1;
	v3 =	vld.idx.msk [tilespmem:v3+s3+$0x0], $0xffff  }
0xcf: {  	v60 =	vadd.s32 s31, v2;
	_ =	sdelay $0x3  }
0xd0: {  	[tilespmem:v4+s29+$0x0] =	vst.idx.add.f32.msk $0xffff, v3  }
0xd1: {  	v3 =	vld.idx.msk [tilespmem:v60+s23+$0x0], $0xffff;
	_ =	sdelay $0x4  }
0xd2: {  	v4 =	vld.idx.msk [tilespmem:v60+s24+$0x0], $0xffff;
	_ =	sdelay $0x2  }
0xd3: {  	s31 =	sadd.s32 $0xFFFFFFFE, s1;
	v3 =	vld.idx.msk [tilespmem:v3+s3+$0x0], $0xffff  }
0xd4: {  	v61 =	vadd.s32 s31, v2;
	_ =	sdelay $0x3  }
0xd5: {  	[tilespmem:v4+s29+$0x0] =	vst.idx.add.f32.msk $0xffff, v3  }
0xd6: {  	v3 =	vld.idx.msk [tilespmem:v61+s23+$0x0], $0xffff;
	_ =	sdelay $0x4  }
0xd7: {  	v4 =	vld.idx.msk [tilespmem:v61+s24+$0x0], $0xffff;
	_ =	sdelay $0x2  }
0xd8: {  	s31 =	sadd.s32 $0xFFFFFFFF, s1;
	v3 =	vld.idx.msk [tilespmem:v3+s3+$0x0], $0xffff  }
0xd9: {  	v62 =	vadd.s32 s31, v2;
	_ =	sdelay $0x3  }
0xda: {  	[tilespmem:v4+s29+$0x0] =	vst.idx.add.f32.msk $0xffff, v3  }
0xdb: {  	v3 =	vld.idx.msk [tilespmem:v62+s23+$0x0], $0xffff;
	_ =	sdelay $0x4  }
0xdc: {  	v4 =	vld.idx.msk [tilespmem:v62+s24+$0x0], $0xffff;
	_ =	sdelay $0x2  }
0xdd: {  	v3 =	vld.idx.msk [tilespmem:v3+s3+$0x0], $0xffff  }
0xde: {  	v63 =	vadd.s32 s1, v2;
	_ =	sdelay $0x3  }
0xdf: {  	[tilespmem:v4+s29+$0x0] =	vst.idx.add.f32.msk $0xffff, v3  }
0xe0: {  	v3 =	vld.idx.msk [tilespmem:v63+s23+$0x0], $0xffff;
	_ =	sdelay $0x4  }
0xe1: {  	v4 =	vld.idx.msk [tilespmem:v63+s24+$0x0], $0xffff;
	_ =	sdelay $0x2  }
0xe2: {  	p1 =	sne.s32 s1, $0x22D;
	v3 =	vld.idx.msk [tilespmem:v3+s3+$0x0], $0xffff  }
.Ltmp5:
0xe3: {  	_ = 	snop;
	(pc) =	sbr.rel @p1 .LBB2_8-.Ltmp5, $2  }
0xe4: {  	_ =	sdelay $0x2  }
0xe5: {  	s1 =	sadd.s32 $0x9, s1;
	[tilespmem:v4+s29+$0x0] =	vst.idx.add.f32.msk $0xffff, v3  }
0xe6: {  	_ =	swait.ge [sflag:s30], $0x22E0  }
0xe7: {  	[sflag:s30] =	ssyncset.done $0x0  }
0xe8: {  	[sflag:s30] =	ssyncadd.s32 $0xFFFFDD20  }
0xe9: {  	_ =	swait.ge [sflag:s30], $0x22E0  }
0xea: {  	[sflag:s30] =	ssyncset.done $0x0  }
0xeb: {  	[sflag:s30] =	ssyncadd.s32 $0xFFFFDD20  }
0xec: {  	[tilespmem:s23], [sflag:$0x1] =	stream.linear.gather [hbm4b:s12+s3], $0x22E0, $0x38;
	[tilespmem:$0x10D00] =	vst v63  }
0xed: {  	s1 =	simm.s32 $0x8  }
0xee: {  	[tilespmem:s24], [sflag:$0x1] =	stream.linear.gather [hbm4b:s13+s3], $0x22E0, $0x38;
	[tilespmem:$0x10D00] =	vst v63  }
.LBB2_10:
0xef: {  	s31 =	sadd.s32 $0xFFFFFFF8, s1  }
0xf0: {  	v3 =	vadd.s32 s31, v2;
	_ =	sdelay $0x4  }
0xf1: {  	v4 =	vld.idx.msk [tilespmem:v3+s26+$0x0], $0xffff;
	_ =	sdelay $0x4  }
0xf2: {  	v3 =	vld.idx.msk [tilespmem:v3+s28+$0x0], $0xffff;
	_ =	sdelay $0x2  }
0xf3: {  	s31 =	sadd.s32 $0xFFFFFFF9, s1;
	v4 =	vld.idx.msk [tilespmem:v4+s3+$0x0], $0xffff  }
0xf4: {  	v5 =	vadd.s32 s31, v2;
	_ =	sdelay $0x3  }
0xf5: {  	[tilespmem:v3+s29+$0x0] =	vst.idx.add.f32.msk $0xffff, v4  }
0xf6: {  	v3 =	vld.idx.msk [tilespmem:v5+s26+$0x0], $0xffff;
	_ =	sdelay $0x4  }
0xf7: {  	v4 =	vld.idx.msk [tilespmem:v5+s28+$0x0], $0xffff;
	_ =	sdelay $0x2  }
0xf8: {  	s31 =	sadd.s32 $0xFFFFFFFA, s1;
	v3 =	vld.idx.msk [tilespmem:v3+s3+$0x0], $0xffff  }
0xf9: {  	v57 =	vadd.s32 s31, v2;
	_ =	sdelay $0x3  }
0xfa: {  	[tilespmem:v4+s29+$0x0] =	vst.idx.add.f32.msk $0xffff, v3  }
0xfb: {  	v3 =	vld.idx.msk [tilespmem:v57+s26+$0x0], $0xffff;
	_ =	sdelay $0x4  }
0xfc: {  	v4 =	vld.idx.msk [tilespmem:v57+s28+$0x0], $0xffff;
	_ =	sdelay $0x2  }
0xfd: {  	s31 =	sadd.s32 $0xFFFFFFFB, s1;
	v3 =	vld.idx.msk [tilespmem:v3+s3+$0x0], $0xffff  }
0xfe: {  	v58 =	vadd.s32 s31, v2;
	_ =	sdelay $0x3  }
0xff: {  	[tilespmem:v4+s29+$0x0] =	vst.idx.add.f32.msk $0xffff, v3  }
0x100: {  	v3 =	vld.idx.msk [tilespmem:v58+s26+$0x0], $0xffff;
	_ =	sdelay $0x4  }
0x101: {  	v4 =	vld.idx.msk [tilespmem:v58+s28+$0x0], $0xffff;
	_ =	sdelay $0x2  }
0x102: {  	s31 =	sadd.s32 $0xFFFFFFFC, s1;
	v3 =	vld.idx.msk [tilespmem:v3+s3+$0x0], $0xffff  }
0x103: {  	v59 =	vadd.s32 s31, v2;
	_ =	sdelay $0x3  }
0x104: {  	[tilespmem:v4+s29+$0x0] =	vst.idx.add.f32.msk $0xffff, v3  }
0x105: {  	v3 =	vld.idx.msk [tilespmem:v59+s26+$0x0], $0xffff;
	_ =	sdelay $0x4  }
0x106: {  	v4 =	vld.idx.msk [tilespmem:v59+s28+$0x0], $0xffff;
	_ =	sdelay $0x2  }
0x107: {  	s31 =	sadd.s32 $0xFFFFFFFD, s1;
	v3 =	vld.idx.msk [tilespmem:v3+s3+$0x0], $0xffff  }
0x108: {  	v60 =	vadd.s32 s31, v2;
	_ =	sdelay $0x3  }
0x109: {  	[tilespmem:v4+s29+$0x0] =	vst.idx.add.f32.msk $0xffff, v3  }
0x10a: {  	v3 =	vld.idx.msk [tilespmem:v60+s26+$0x0], $0xffff;
	_ =	sdelay $0x4  }
0x10b: {  	v4 =	vld.idx.msk [tilespmem:v60+s28+$0x0], $0xffff;
	_ =	sdelay $0x2  }
0x10c: {  	s31 =	sadd.s32 $0xFFFFFFFE, s1;
	v3 =	vld.idx.msk [tilespmem:v3+s3+$0x0], $0xffff  }
0x10d: {  	v61 =	vadd.s32 s31, v2;
	_ =	sdelay $0x3  }
0x10e: {  	[tilespmem:v4+s29+$0x0] =	vst.idx.add.f32.msk $0xffff, v3  }
0x10f: {  	v3 =	vld.idx.msk [tilespmem:v61+s26+$0x0], $0xffff;
	_ =	sdelay $0x4  }
0x110: {  	v4 =	vld.idx.msk [tilespmem:v61+s28+$0x0], $0xffff;
	_ =	sdelay $0x2  }
0x111: {  	s31 =	sadd.s32 $0xFFFFFFFF, s1;
	v3 =	vld.idx.msk [tilespmem:v3+s3+$0x0], $0xffff  }
0x112: {  	v62 =	vadd.s32 s31, v2;
	_ =	sdelay $0x3  }
0x113: {  	[tilespmem:v4+s29+$0x0] =	vst.idx.add.f32.msk $0xffff, v3  }
0x114: {  	v3 =	vld.idx.msk [tilespmem:v62+s26+$0x0], $0xffff;
	_ =	sdelay $0x4  }
0x115: {  	v4 =	vld.idx.msk [tilespmem:v62+s28+$0x0], $0xffff;
	_ =	sdelay $0x2  }
0x116: {  	v3 =	vld.idx.msk [tilespmem:v3+s3+$0x0], $0xffff  }
0x117: {  	v63 =	vadd.s32 s1, v2;
	_ =	sdelay $0x3  }
0x118: {  	[tilespmem:v4+s29+$0x0] =	vst.idx.add.f32.msk $0xffff, v3  }
0x119: {  	v3 =	vld.idx.msk [tilespmem:v63+s26+$0x0], $0xffff;
	_ =	sdelay $0x4  }
0x11a: {  	v4 =	vld.idx.msk [tilespmem:v63+s28+$0x0], $0xffff;
	_ =	sdelay $0x2  }
0x11b: {  	p1 =	sne.s32 s1, $0x22D;
	v3 =	vld.idx.msk [tilespmem:v3+s3+$0x0], $0xffff  }
.Ltmp6:
0x11c: {  	_ = 	snop;
	(pc) =	sbr.rel @p1 .LBB2_10-.Ltmp6, $2  }
0x11d: {  	_ =	sdelay $0x2  }
0x11e: {  	s1 =	sadd.s32 $0x9, s1;
	[tilespmem:v4+s29+$0x0] =	vst.idx.add.f32.msk $0xffff, v3  }
0x11f: {  	_ =	swait.ge [sflag:s25], $0x22E0  }
0x120: {  	[sflag:s25] =	ssyncset.done $0x0  }
0x121: {  	[sflag:s25] =	ssyncadd.s32 $0xFFFFDD20  }
0x122: {  	_ =	swait.ge [sflag:s25], $0x22E0  }
0x123: {  	[sflag:s25] =	ssyncset.done $0x0  }
0x124: {  	[sflag:s25] =	ssyncadd.s32 $0xFFFFDD20  }
0x125: {  	[tilespmem:s26], [sflag:$0x2] =	stream.linear.gather [hbm4b:s14+s3], $0x22E0, $0x38;
	[tilespmem:$0x10D00] =	vst v63  }
0x126: {  	s1 =	simm.s32 $0x8  }
0x127: {  	[tilespmem:s28], [sflag:$0x2] =	stream.linear.gather [hbm4b:s15+s3], $0x22E0, $0x38;
	[tilespmem:$0x10D00] =	vst v63  }
.LBB2_12:
0x128: {  	s31 =	sadd.s32 $0xFFFFFFF8, s1  }
0x129: {  	v3 =	vadd.s32 s31, v2;
	_ =	sdelay $0x4  }
0x12a: {  	v4 =	vld.idx.msk [tilespmem:v3+s23+$0x0], $0xffff;
	_ =	sdelay $0x4  }
0x12b: {  	v3 =	vld.idx.msk [tilespmem:v3+s24+$0x0], $0xffff;
	_ =	sdelay $0x2  }
0x12c: {  	s31 =	sadd.s32 $0xFFFFFFF9, s1;
	v4 =	vld.idx.msk [tilespmem:v4+s3+$0x0], $0xffff  }
0x12d: {  	v5 =	vadd.s32 s31, v2;
	_ =	sdelay $0x3  }
0x12e: {  	[tilespmem:v3+s29+$0x0] =	vst.idx.add.f32.msk $0xffff, v4  }
0x12f: {  	v3 =	vld.idx.msk [tilespmem:v5+s23+$0x0], $0xffff;
	_ =	sdelay $0x4  }
0x130: {  	v4 =	vld.idx.msk [tilespmem:v5+s24+$0x0], $0xffff;
	_ =	sdelay $0x2  }
0x131: {  	s31 =	sadd.s32 $0xFFFFFFFA, s1;
	v3 =	vld.idx.msk [tilespmem:v3+s3+$0x0], $0xffff  }
0x132: {  	v57 =	vadd.s32 s31, v2;
	_ =	sdelay $0x3  }
0x133: {  	[tilespmem:v4+s29+$0x0] =	vst.idx.add.f32.msk $0xffff, v3  }
0x134: {  	v3 =	vld.idx.msk [tilespmem:v57+s23+$0x0], $0xffff;
	_ =	sdelay $0x4  }
0x135: {  	v4 =	vld.idx.msk [tilespmem:v57+s24+$0x0], $0xffff;
	_ =	sdelay $0x2  }
0x136: {  	s31 =	sadd.s32 $0xFFFFFFFB, s1;
	v3 =	vld.idx.msk [tilespmem:v3+s3+$0x0], $0xffff  }
0x137: {  	v58 =	vadd.s32 s31, v2;
	_ =	sdelay $0x3  }
0x138: {  	[tilespmem:v4+s29+$0x0] =	vst.idx.add.f32.msk $0xffff, v3  }
0x139: {  	v3 =	vld.idx.msk [tilespmem:v58+s23+$0x0], $0xffff;
	_ =	sdelay $0x4  }
0x13a: {  	v4 =	vld.idx.msk [tilespmem:v58+s24+$0x0], $0xffff;
	_ =	sdelay $0x2  }
0x13b: {  	s31 =	sadd.s32 $0xFFFFFFFC, s1;
	v3 =	vld.idx.msk [tilespmem:v3+s3+$0x0], $0xffff  }
0x13c: {  	v59 =	vadd.s32 s31, v2;
	_ =	sdelay $0x3  }
0x13d: {  	[tilespmem:v4+s29+$0x0] =	vst.idx.add.f32.msk $0xffff, v3  }
0x13e: {  	v3 =	vld.idx.msk [tilespmem:v59+s23+$0x0], $0xffff;
	_ =	sdelay $0x4  }
0x13f: {  	v4 =	vld.idx.msk [tilespmem:v59+s24+$0x0], $0xffff;
	_ =	sdelay $0x2  }
0x140: {  	s31 =	sadd.s32 $0xFFFFFFFD, s1;
	v3 =	vld.idx.msk [tilespmem:v3+s3+$0x0], $0xffff  }
0x141: {  	v60 =	vadd.s32 s31, v2;
	_ =	sdelay $0x3  }
0x142: {  	[tilespmem:v4+s29+$0x0] =	vst.idx.add.f32.msk $0xffff, v3  }
0x143: {  	v3 =	vld.idx.msk [tilespmem:v60+s23+$0x0], $0xffff;
	_ =	sdelay $0x4  }
0x144: {  	v4 =	vld.idx.msk [tilespmem:v60+s24+$0x0], $0xffff;
	_ =	sdelay $0x2  }
0x145: {  	s31 =	sadd.s32 $0xFFFFFFFE, s1;
	v3 =	vld.idx.msk [tilespmem:v3+s3+$0x0], $0xffff  }
0x146: {  	v61 =	vadd.s32 s31, v2;
	_ =	sdelay $0x3  }
0x147: {  	[tilespmem:v4+s29+$0x0] =	vst.idx.add.f32.msk $0xffff, v3  }
0x148: {  	v3 =	vld.idx.msk [tilespmem:v61+s23+$0x0], $0xffff;
	_ =	sdelay $0x4  }
0x149: {  	v4 =	vld.idx.msk [tilespmem:v61+s24+$0x0], $0xffff;
	_ =	sdelay $0x2  }
0x14a: {  	s31 =	sadd.s32 $0xFFFFFFFF, s1;
	v3 =	vld.idx.msk [tilespmem:v3+s3+$0x0], $0xffff  }
0x14b: {  	v62 =	vadd.s32 s31, v2;
	_ =	sdelay $0x3  }
0x14c: {  	[tilespmem:v4+s29+$0x0] =	vst.idx.add.f32.msk $0xffff, v3  }
0x14d: {  	v3 =	vld.idx.msk [tilespmem:v62+s23+$0x0], $0xffff;
	_ =	sdelay $0x4  }
0x14e: {  	v4 =	vld.idx.msk [tilespmem:v62+s24+$0x0], $0xffff;
	_ =	sdelay $0x2  }
0x14f: {  	v3 =	vld.idx.msk [tilespmem:v3+s3+$0x0], $0xffff  }
0x150: {  	v63 =	vadd.s32 s1, v2;
	_ =	sdelay $0x3  }
0x151: {  	[tilespmem:v4+s29+$0x0] =	vst.idx.add.f32.msk $0xffff, v3  }
0x152: {  	v3 =	vld.idx.msk [tilespmem:v63+s23+$0x0], $0xffff;
	_ =	sdelay $0x4  }
0x153: {  	v4 =	vld.idx.msk [tilespmem:v63+s24+$0x0], $0xffff;
	_ =	sdelay $0x2  }
0x154: {  	p1 =	sne.s32 s1, $0x22D;
	v3 =	vld.idx.msk [tilespmem:v3+s3+$0x0], $0xffff  }
.Ltmp7:
0x155: {  	_ = 	snop;
	(pc) =	sbr.rel @p1 .LBB2_12-.Ltmp7, $2  }
0x156: {  	_ =	sdelay $0x2  }
0x157: {  	s1 =	sadd.s32 $0x9, s1;
	[tilespmem:v4+s29+$0x0] =	vst.idx.add.f32.msk $0xffff, v3  }
0x158: {  	_ =	swait.ge [sflag:s30], $0x22E0  }
0x159: {  	[sflag:s30] =	ssyncset.done $0x0  }
0x15a: {  	[sflag:s30] =	ssyncadd.s32 $0xFFFFDD20  }
0x15b: {  	_ =	swait.ge [sflag:s30], $0x22E0  }
0x15c: {  	[sflag:s30] =	ssyncset.done $0x0  }
0x15d: {  	[sflag:s30] =	ssyncadd.s32 $0xFFFFDD20  }
0x15e: {  	[tilespmem:s23], [sflag:$0x1] =	stream.linear.gather [hbm4b:s16+s3], $0x22E0, $0x38;
	[tilespmem:$0x10D00] =	vst v63  }
0x15f: {  	s1 =	simm.s32 $0x8  }
0x160: {  	[tilespmem:s24], [sflag:$0x1] =	stream.linear.gather [hbm4b:s17+s3], $0x22E0, $0x38;
	[tilespmem:$0x10D00] =	vst v63  }
.LBB2_14:
0x161: {  	s31 =	sadd.s32 $0xFFFFFFF8, s1  }
0x162: {  	v3 =	vadd.s32 s31, v2;
	_ =	sdelay $0x4  }
0x163: {  	v4 =	vld.idx.msk [tilespmem:v3+s26+$0x0], $0xffff;
	_ =	sdelay $0x4  }
0x164: {  	v3 =	vld.idx.msk [tilespmem:v3+s28+$0x0], $0xffff;
	_ =	sdelay $0x2  }
0x165: {  	s31 =	sadd.s32 $0xFFFFFFF9, s1;
	v4 =	vld.idx.msk [tilespmem:v4+s3+$0x0], $0xffff  }
0x166: {  	v5 =	vadd.s32 s31, v2;
	_ =	sdelay $0x3  }
0x167: {  	[tilespmem:v3+s29+$0x0] =	vst.idx.add.f32.msk $0xffff, v4  }
0x168: {  	v3 =	vld.idx.msk [tilespmem:v5+s26+$0x0], $0xffff;
	_ =	sdelay $0x4  }
0x169: {  	v4 =	vld.idx.msk [tilespmem:v5+s28+$0x0], $0xffff;
	_ =	sdelay $0x2  }
0x16a: {  	s31 =	sadd.s32 $0xFFFFFFFA, s1;
	v3 =	vld.idx.msk [tilespmem:v3+s3+$0x0], $0xffff  }
0x16b: {  	v57 =	vadd.s32 s31, v2;
	_ =	sdelay $0x3  }
0x16c: {  	[tilespmem:v4+s29+$0x0] =	vst.idx.add.f32.msk $0xffff, v3  }
0x16d: {  	v3 =	vld.idx.msk [tilespmem:v57+s26+$0x0], $0xffff;
	_ =	sdelay $0x4  }
0x16e: {  	v4 =	vld.idx.msk [tilespmem:v57+s28+$0x0], $0xffff;
	_ =	sdelay $0x2  }
0x16f: {  	s31 =	sadd.s32 $0xFFFFFFFB, s1;
	v3 =	vld.idx.msk [tilespmem:v3+s3+$0x0], $0xffff  }
0x170: {  	v58 =	vadd.s32 s31, v2;
	_ =	sdelay $0x3  }
0x171: {  	[tilespmem:v4+s29+$0x0] =	vst.idx.add.f32.msk $0xffff, v3  }
0x172: {  	v3 =	vld.idx.msk [tilespmem:v58+s26+$0x0], $0xffff;
	_ =	sdelay $0x4  }
0x173: {  	v4 =	vld.idx.msk [tilespmem:v58+s28+$0x0], $0xffff;
	_ =	sdelay $0x2  }
0x174: {  	s31 =	sadd.s32 $0xFFFFFFFC, s1;
	v3 =	vld.idx.msk [tilespmem:v3+s3+$0x0], $0xffff  }
0x175: {  	v59 =	vadd.s32 s31, v2;
	_ =	sdelay $0x3  }
0x176: {  	[tilespmem:v4+s29+$0x0] =	vst.idx.add.f32.msk $0xffff, v3  }
0x177: {  	v3 =	vld.idx.msk [tilespmem:v59+s26+$0x0], $0xffff;
	_ =	sdelay $0x4  }
0x178: {  	v4 =	vld.idx.msk [tilespmem:v59+s28+$0x0], $0xffff;
	_ =	sdelay $0x2  }
0x179: {  	s31 =	sadd.s32 $0xFFFFFFFD, s1;
	v3 =	vld.idx.msk [tilespmem:v3+s3+$0x0], $0xffff  }
0x17a: {  	v60 =	vadd.s32 s31, v2;
	_ =	sdelay $0x3  }
0x17b: {  	[tilespmem:v4+s29+$0x0] =	vst.idx.add.f32.msk $0xffff, v3  }
0x17c: {  	v3 =	vld.idx.msk [tilespmem:v60+s26+$0x0], $0xffff;
	_ =	sdelay $0x4  }
0x17d: {  	v4 =	vld.idx.msk [tilespmem:v60+s28+$0x0], $0xffff;
	_ =	sdelay $0x2  }
0x17e: {  	s31 =	sadd.s32 $0xFFFFFFFE, s1;
	v3 =	vld.idx.msk [tilespmem:v3+s3+$0x0], $0xffff  }
0x17f: {  	v61 =	vadd.s32 s31, v2;
	_ =	sdelay $0x3  }
0x180: {  	[tilespmem:v4+s29+$0x0] =	vst.idx.add.f32.msk $0xffff, v3  }
0x181: {  	v3 =	vld.idx.msk [tilespmem:v61+s26+$0x0], $0xffff;
	_ =	sdelay $0x4  }
0x182: {  	v4 =	vld.idx.msk [tilespmem:v61+s28+$0x0], $0xffff;
	_ =	sdelay $0x2  }
0x183: {  	s31 =	sadd.s32 $0xFFFFFFFF, s1;
	v3 =	vld.idx.msk [tilespmem:v3+s3+$0x0], $0xffff  }
0x184: {  	v62 =	vadd.s32 s31, v2;
	_ =	sdelay $0x3  }
0x185: {  	[tilespmem:v4+s29+$0x0] =	vst.idx.add.f32.msk $0xffff, v3  }
0x186: {  	v3 =	vld.idx.msk [tilespmem:v62+s26+$0x0], $0xffff;
	_ =	sdelay $0x4  }
0x187: {  	v4 =	vld.idx.msk [tilespmem:v62+s28+$0x0], $0xffff;
	_ =	sdelay $0x2  }
0x188: {  	v3 =	vld.idx.msk [tilespmem:v3+s3+$0x0], $0xffff  }
0x189: {  	v63 =	vadd.s32 s1, v2;
	_ =	sdelay $0x3  }
0x18a: {  	[tilespmem:v4+s29+$0x0] =	vst.idx.add.f32.msk $0xffff, v3  }
0x18b: {  	v3 =	vld.idx.msk [tilespmem:v63+s26+$0x0], $0xffff;
	_ =	sdelay $0x4  }
0x18c: {  	v4 =	vld.idx.msk [tilespmem:v63+s28+$0x0], $0xffff;
	_ =	sdelay $0x2  }
0x18d: {  	p1 =	sne.s32 s1, $0x22D;
	v3 =	vld.idx.msk [tilespmem:v3+s3+$0x0], $0xffff  }
.Ltmp8:
0x18e: {  	_ = 	snop;
	(pc) =	sbr.rel @p1 .LBB2_14-.Ltmp8, $2  }
0x18f: {  	_ =	sdelay $0x2  }
0x190: {  	s1 =	sadd.s32 $0x9, s1;
	[tilespmem:v4+s29+$0x0] =	vst.idx.add.f32.msk $0xffff, v3  }
0x191: {  	_ =	swait.ge [sflag:s25], $0x22E0  }
0x192: {  	[sflag:s25] =	ssyncset.done $0x0  }
0x193: {  	[sflag:s25] =	ssyncadd.s32 $0xFFFFDD20  }
0x194: {  	_ =	swait.ge [sflag:s25], $0x22E0  }
0x195: {  	[sflag:s25] =	ssyncset.done $0x0  }
0x196: {  	s1 =	simm.s32 $0x8;
	[sflag:s25] =	ssyncadd.s32 $0xFFFFDD20  }
.LBB2_16:
0x197: {  	s31 =	sadd.s32 $0xFFFFFFF8, s1  }
0x198: {  	v3 =	vadd.s32 s31, v2;
	_ =	sdelay $0x4  }
0x199: {  	v4 =	vld.idx.msk [tilespmem:v3+s23+$0x0], $0xffff;
	_ =	sdelay $0x4  }
0x19a: {  	v3 =	vld.idx.msk [tilespmem:v3+s24+$0x0], $0xffff;
	_ =	sdelay $0x2  }
0x19b: {  	s31 =	sadd.s32 $0xFFFFFFF9, s1;
	v4 =	vld.idx.msk [tilespmem:v4+s3+$0x0], $0xffff  }
0x19c: {  	v5 =	vadd.s32 s31, v2;
	_ =	sdelay $0x3  }
0x19d: {  	[tilespmem:v3+s29+$0x0] =	vst.idx.add.f32.msk $0xffff, v4  }
0x19e: {  	v3 =	vld.idx.msk [tilespmem:v5+s23+$0x0], $0xffff;
	_ =	sdelay $0x4  }
0x19f: {  	v4 =	vld.idx.msk [tilespmem:v5+s24+$0x0], $0xffff;
	_ =	sdelay $0x2  }
0x1a0: {  	s31 =	sadd.s32 $0xFFFFFFFA, s1;
	v3 =	vld.idx.msk [tilespmem:v3+s3+$0x0], $0xffff  }
0x1a1: {  	v57 =	vadd.s32 s31, v2;
	_ =	sdelay $0x3  }
0x1a2: {  	[tilespmem:v4+s29+$0x0] =	vst.idx.add.f32.msk $0xffff, v3  }
0x1a3: {  	v3 =	vld.idx.msk [tilespmem:v57+s23+$0x0], $0xffff;
	_ =	sdelay $0x4  }
0x1a4: {  	v4 =	vld.idx.msk [tilespmem:v57+s24+$0x0], $0xffff;
	_ =	sdelay $0x2  }
0x1a5: {  	s31 =	sadd.s32 $0xFFFFFFFB, s1;
	v3 =	vld.idx.msk [tilespmem:v3+s3+$0x0], $0xffff  }
0x1a6: {  	v58 =	vadd.s32 s31, v2;
	_ =	sdelay $0x3  }
0x1a7: {  	[tilespmem:v4+s29+$0x0] =	vst.idx.add.f32.msk $0xffff, v3  }
0x1a8: {  	v3 =	vld.idx.msk [tilespmem:v58+s23+$0x0], $0xffff;
	_ =	sdelay $0x4  }
0x1a9: {  	v4 =	vld.idx.msk [tilespmem:v58+s24+$0x0], $0xffff;
	_ =	sdelay $0x2  }
0x1aa: {  	s31 =	sadd.s32 $0xFFFFFFFC, s1;
	v3 =	vld.idx.msk [tilespmem:v3+s3+$0x0], $0xffff  }
0x1ab: {  	v59 =	vadd.s32 s31, v2;
	_ =	sdelay $0x3  }
0x1ac: {  	[tilespmem:v4+s29+$0x0] =	vst.idx.add.f32.msk $0xffff, v3  }
0x1ad: {  	v3 =	vld.idx.msk [tilespmem:v59+s23+$0x0], $0xffff;
	_ =	sdelay $0x4  }
0x1ae: {  	v4 =	vld.idx.msk [tilespmem:v59+s24+$0x0], $0xffff;
	_ =	sdelay $0x2  }
0x1af: {  	s31 =	sadd.s32 $0xFFFFFFFD, s1;
	v3 =	vld.idx.msk [tilespmem:v3+s3+$0x0], $0xffff  }
0x1b0: {  	v60 =	vadd.s32 s31, v2;
	_ =	sdelay $0x3  }
0x1b1: {  	[tilespmem:v4+s29+$0x0] =	vst.idx.add.f32.msk $0xffff, v3  }
0x1b2: {  	v3 =	vld.idx.msk [tilespmem:v60+s23+$0x0], $0xffff;
	_ =	sdelay $0x4  }
0x1b3: {  	v4 =	vld.idx.msk [tilespmem:v60+s24+$0x0], $0xffff;
	_ =	sdelay $0x2  }
0x1b4: {  	s31 =	sadd.s32 $0xFFFFFFFE, s1;
	v3 =	vld.idx.msk [tilespmem:v3+s3+$0x0], $0xffff  }
0x1b5: {  	v61 =	vadd.s32 s31, v2;
	_ =	sdelay $0x3  }
0x1b6: {  	[tilespmem:v4+s29+$0x0] =	vst.idx.add.f32.msk $0xffff, v3  }
0x1b7: {  	v3 =	vld.idx.msk [tilespmem:v61+s23+$0x0], $0xffff;
	_ =	sdelay $0x4  }
0x1b8: {  	v4 =	vld.idx.msk [tilespmem:v61+s24+$0x0], $0xffff;
	_ =	sdelay $0x2  }
0x1b9: {  	s31 =	sadd.s32 $0xFFFFFFFF, s1;
	v3 =	vld.idx.msk [tilespmem:v3+s3+$0x0], $0xffff  }
0x1ba: {  	v62 =	vadd.s32 s31, v2;
	_ =	sdelay $0x3  }
0x1bb: {  	[tilespmem:v4+s29+$0x0] =	vst.idx.add.f32.msk $0xffff, v3  }
0x1bc: {  	v3 =	vld.idx.msk [tilespmem:v62+s23+$0x0], $0xffff;
	_ =	sdelay $0x4  }
0x1bd: {  	v4 =	vld.idx.msk [tilespmem:v62+s24+$0x0], $0xffff;
	_ =	sdelay $0x2  }
0x1be: {  	v3 =	vld.idx.msk [tilespmem:v3+s3+$0x0], $0xffff  }
0x1bf: {  	v63 =	vadd.s32 s1, v2;
	_ =	sdelay $0x3  }
0x1c0: {  	[tilespmem:v4+s29+$0x0] =	vst.idx.add.f32.msk $0xffff, v3  }
0x1c1: {  	v3 =	vld.idx.msk [tilespmem:v63+s23+$0x0], $0xffff;
	_ =	sdelay $0x4  }
0x1c2: {  	v4 =	vld.idx.msk [tilespmem:v63+s24+$0x0], $0xffff;
	_ =	sdelay $0x2  }
0x1c3: {  	p1 =	sne.s32 s1, $0x22D;
	v3 =	vld.idx.msk [tilespmem:v3+s3+$0x0], $0xffff  }
.Ltmp9:
0x1c4: {  	_ = 	snop;
	(pc) =	sbr.rel @p1 .LBB2_16-.Ltmp9, $2  }
0x1c5: {  	_ =	sdelay $0x2  }
0x1c6: {  	s1 =	sadd.s32 $0x9, s1;
	[tilespmem:v4+s29+$0x0] =	vst.idx.add.f32.msk $0xffff, v3  }
.Ltmp10:
0x1c7: {  	(pc) =	sbr.rel @p0 .LBB2_21-.Ltmp10, $1  }
0x1c8: {  	_ =	sdelay $0x3  }
0x1c9: {  	s1 =	simm.s32 $0x0  }
0x1ca: {  	[tilespmem:s23], [sflag:$0x3] =	stream.linear.gather [hbm4b:s18+s1], $0x80, $0x38;
	[tilespmem:$0x10D00] =	vst v63  }
0x1cb: {  	v3 =	vmul.u32 $0x8, v0;
	_ =	swait.ge [sflag:s22], $0x80  }
0x1cc: {  	[sflag:s22] =	ssyncset.done $0x0  }
0x1cd: {  	v4 =	vor.u32 s1, v3;
	[sflag:s22] =	ssyncadd.s32 $0xFFFFFF80  }
0x1ce: {  	[tilespmem:s24], [sflag:$0x3] =	stream.linear.gather [hbm4b:s19+s1], $0x80, $0x38;
	[tilespmem:$0x10D00] =	vst v63  }
0x1cf: {  	_ =	swait.ge [sflag:s22], $0x80  }
0x1d0: {  	[sflag:s22] =	ssyncset.done $0x0  }
0x1d1: {  	[sflag:s22] =	ssyncadd.s32 $0xFFFFFF80  }
0x1d2: {  	v5 =	vld.idx.msk [tilespmem:v4+s23+$0x0], $0xffff;
	_ =	sdelay $0x5  }
0x1d3: {  	v4 =	vld.idx.msk [tilespmem:v4+s24+$0x0], $0xffff;
	_ =	sdelay $0x1  }
0x1d4: {  	s31 =	simm.s32 $0x2;
	s1 =	simm.s32 $0x1;
	v5 =	vld.idx.msk [tilespmem:v5+s3+$0x0], $0xffff  }
.LBB2_19:
0x1d5: {  	p1 =	sne.s32 s31, $0x7  }
0x1d6: {  	v6 =	vor.u32 s1, v3;
	s1 =	smov.u32 s31;
	_ =	sdelay $0x3  }
0x1d7: {  	[tilespmem:v4+s29+$0x0] =	vst.idx.add.f32.msk $0xffff, v5  }
0x1d8: {  	v5 =	vld.idx.msk [tilespmem:v6+s23+$0x0], $0xffff;
	_ =	sdelay $0x3  }
.Ltmp11:
0x1d9: {  	(pc) =	sbr.rel @p1 .LBB2_19-.Ltmp11, $3  }
0x1da: {  	_ = 	snop  }
0x1db: {  	v4 =	vld.idx.msk [tilespmem:v6+s24+$0x0], $0xffff;
	_ =	sdelay $0x1  }
0x1dc: {  	s31 =	sadd.s32 $0x1, s31;
	v5 =	vld.idx.msk [tilespmem:v5+s3+$0x0], $0xffff  }
.Ltmp12:
0x1dd: {  	_ = 	snop;
	(pc) =	sbr.rel .LBB2_20-.Ltmp12, $1  }
0x1de: {  	_ =	sdelay $0x3  }
.LBB2_22:
0x1df: {  	_ =	sfence.sel $0x180000  }
0x1e0: {  	[bflag:$0x0] =	sbarrier.arrive $0xFFFF  }
0x1e1: {  	_ =	strace $0x90000047  }
0x1e2: {  	s0 =	stileid.u32;
	[bflag:$0x2] =	sbarrier.arrive $0xFFFF  }
0x1e3: {  	p0 =	sne.s32 s0, $0x0;
	s0 =	rddreg [dreg:$0x4]  }
0x1e4: {  	s0 =	sadd.s32 @!p0 $0x100000, s0  }
0x1e5: {  	[sflag:s0] =	ssyncadd.tile.s32 @!p0 $0x1;
	_ =	shalt  }
.Lfunc_end2:
_tile_overlayer_lowered:
.L_overlay_start_2:
0x1e6: {  	(tag) =	ssettag $0x2  }
0x1e7: {  	s0 =	rddreg [dreg:$0x0];
	s2 =	stileid.u32  }
0x1e8: {  	s1 =	rddreg [dreg:$0x1];
	p0 =	sne.s32 s2, $0x0  }
0x1e9: {  	s3 =	rddreg [dreg:$0x2];
	[bflag:$0x3] =	sbarrier.arrive $0xFFFF;
	s2 =	simm.s32 @!p0 $0x1C03  }
0x1ea: {  	[timem:s3], [sflag:s2] =	dma.local @!p0 [hbm:s0], s1  }
0x1eb: {  	s0 =	simm.s32 @!p0 $0x3  }
0x1ec: {  	_ =	swait.ge @!p0 [sflag:s0], s1  }
0x1ed: {  	s1 =	ssub.s32 @!p0 $0x0, s1;
	[sflag:s0] =	ssyncset.done @!p0 $0x0  }
0x1ee: {  	[sflag:s0] =	ssyncadd.s32 @!p0 s1  }
0x1ef: {  	[bflag:$0x3] =	sbarrier.arrive $0xFFFF  }
0x1f0: {  	_ =	shalt  }

</sc_bundles>
